<compile_context>
chip_gen: v7x
topology: tpu7x:2x2x1
jax: 0.10.2.dev20260603
libtpu: 0.0.44.dev20260713+nightly
codegen_flags: <defaults>
</compile_context>

<pallas_src>
import functools

import jax
import jax.numpy as jnp
from jax import lax
from jax.experimental import pallas as pl
from jax.experimental.pallas import tpu as pltpu
from jax.experimental.pallas import tpu_sc as plsc

_VB = 2048
_NBUF = 3
_NSPLIT = 4
_REM = 32


def _sc_gather(table, idx):
    info = plsc.get_sparse_core_info()
    nc, ns = info.num_cores, info.num_subcores
    nw = nc * ns
    B = idx.shape[0]
    V, D = table.shape
    b_per_w = B // nw
    mesh = plsc.VectorSubcoreMesh(core_axis_name="c", subcore_axis_name="s")

    @functools.partial(
        pl.kernel,
        mesh=mesh,
        compiler_params=pltpu.CompilerParams(use_tc_tiling_on_sc=False),
        out_type=jax.ShapeDtypeStruct((B, D), jnp.float32),
        scratch_types=[
            pltpu.VMEM((b_per_w,), jnp.int32),
            pltpu.VMEM((b_per_w, D), jnp.float32),
            pltpu.SemaphoreType.DMA,
        ],
    )
    def k(table_hbm, idx_hbm, out_hbm, idx_v, rows_v, sem):
        wid = lax.axis_index("s") * nc + lax.axis_index("c")
        base = wid * b_per_w
        pltpu.sync_copy(idx_hbm.at[pl.ds(base, b_per_w)], idx_v)
        pltpu.async_copy(table_hbm.at[idx_v], rows_v, sem).wait()
        pltpu.sync_copy(rows_v, out_hbm.at[pl.ds(base, b_per_w)])

    return k(table, idx)


def _gru_h_body(h_ref, whr_ref, whz_ref, whn_ref, bhn_ref,
                hr_ref, hz_ref, hn_ref):
    h = h_ref[...]
    hr_ref[...] = h @ whr_ref[...]
    hz_ref[...] = h @ whz_ref[...]
    hn_ref[...] = h @ whn_ref[...] + bhn_ref[...]


def _gru_e_body(e_ref, h_ref, hr_ref, hz_ref, hn_ref, wir_ref, bir_ref,
                wiz_ref, biz_ref, win_ref, bin_ref, wtail_ref,
                btail_ref, newh_ref, newh_bf_ref, tail_ref):
    e = e_ref[...]
    h = h_ref[...]
    r = jax.nn.sigmoid(e @ wir_ref[...] + bir_ref[...] + hr_ref[...])
    z = jax.nn.sigmoid(e @ wiz_ref[...] + biz_ref[...] + hz_ref[...])
    n = jnp.tanh(e @ win_ref[...] + bin_ref[...] + r * hn_ref[...])
    nh = (1.0 - z) * n + z * h
    newh_ref[...] = nh
    nh_bf = nh.astype(jnp.bfloat16)
    newh_bf_ref[...] = nh_bf
    tail_ref[...] = (
        jnp.dot(nh_bf, wtail_ref[...].astype(jnp.bfloat16),
                preferred_element_type=jnp.float32)
        + btail_ref[...])


def _make_proj_body(B, H, V):
    va = V - _REM
    nv = pl.cdiv(va, _VB)
    tw = va - (nv - 1) * _VB
    rs = B // _NSPLIT

    def body(h_ref, wout_ref, bout_ref, logits_ref, obuf, osem):
        g = pl.program_id(0)
        slot = lax.rem(g, _NBUF)

        def slab_copy(slot_, g_, j, width):
            if width == _VB:
                col = pl.ds(pl.multiple_of(g_ * _VB, _VB), _VB)
            else:
                col = pl.ds((nv - 1) * _VB, width)
            return pltpu.make_async_copy(
                obuf.at[slot_, pl.ds(j * rs, rs), pl.ds(0, width)],
                logits_ref.at[pl.ds(j * rs, rs), col],
                osem.at[slot_, j],
            )

        @pl.when(g >= _NBUF)
        def _():
            for j in range(_NSPLIT):
                slab_copy(slot, g - _NBUF, j, _VB).wait()

        obuf[slot] = (
            jnp.dot(h_ref[...], wout_ref[...].astype(jnp.bfloat16),
                    preferred_element_type=jnp.float32)
            + bout_ref[...])

        @pl.when(g < nv - 1)
        def _():
            for j in range(_NSPLIT):
                slab_copy(slot, g, j, _VB).start()

        @pl.when(g == nv - 1)
        def _():
            for j in range(_NSPLIT):
                slab_copy(slot, g, j, tw).start()
            for gp in range(nv - _NBUF, nv):
                w = _VB if gp < nv - 1 else tw
                for j in range(_NSPLIT):
                    slab_copy(gp % _NBUF, gp, j, w).wait()

    return body, nv


def kernel(x, carry, embed_table, W_ir, b_ir, W_iz, b_iz, W_in, b_in,
           W_hr, W_hz, W_hn, b_hn, W_out, b_out):
    B, H = carry.shape
    V, D = embed_table.shape

    e = _sc_gather(embed_table, x)

    hr, hz, hn = pl.pallas_call(
        _gru_h_body,
        out_shape=[jax.ShapeDtypeStruct((B, H), jnp.float32)] * 3,
    )(carry, W_hr, W_hz, W_hn, b_hn.reshape(1, H))

    new_h, new_h_bf, tail = pl.pallas_call(
        _gru_e_body,
        out_shape=[
            jax.ShapeDtypeStruct((B, H), jnp.float32),
            jax.ShapeDtypeStruct((B, H), jnp.bfloat16),
            jax.ShapeDtypeStruct((B, _REM), jnp.float32),
        ],
    )(e, carry, hr, hz, hn, W_ir, b_ir.reshape(1, H),
      W_iz, b_iz.reshape(1, H), W_in, b_in.reshape(1, H),
      W_out[:, V - _REM:], b_out[V - _REM:].reshape(1, _REM))

    proj_body, nv = _make_proj_body(B, H, V)
    logits = pl.pallas_call(
        proj_body,
        grid=(nv,),
        in_specs=[
            pl.BlockSpec((B, H), lambda i: (0, 0)),
            pl.BlockSpec((H, _VB), lambda i: (0, i)),
            pl.BlockSpec((1, _VB), lambda i: (0, i)),
        ],
        out_specs=pl.BlockSpec(memory_space=pl.ANY),
        out_shape=jax.ShapeDtypeStruct((B, V), jnp.float32),
        scratch_shapes=[
            pltpu.VMEM((_NBUF, B, _VB), jnp.float32),
            pltpu.SemaphoreType.DMA((_NBUF, _NSPLIT)),
        ],
        compiler_params=pltpu.CompilerParams(
            vmem_limit_bytes=56 * 1024 * 1024,
        ),
    )(new_h_bf, W_out, b_out.reshape(1, V))

    logits = lax.dynamic_update_slice(logits, tail, (0, V - _REM))
    return (logits, new_h)

# --- scband reference (transcript-rebuilt; emitter-appended) ---
"""Pipeline reference for scband-toy-llm-17910013624755 (READ-ONLY COPY).

The authoritative reference and input builder live on the scoring server;
editing this copy changes nothing except your own understanding.
"""

import jax, jax.numpy as jnp
import numpy as np

V = 100000
D = 64
H = 256
B = 1024


def setup_inputs(seed: int = 0) -> dict:
    key = jax.random.key(seed)
    ks = jax.random.split(key, 12)
    x = jax.random.randint(ks[0], (B,), 0, V, dtype=jnp.int32)
    carry = jnp.zeros((B, H), dtype=jnp.float32)
    # nn.Embed with uniform() init (scale=0.01)
    embed_table = jax.random.uniform(ks[1], (V, D), dtype=jnp.float32) * 0.01
    si = 1.0 / np.sqrt(D)
    sh = 1.0 / np.sqrt(H)
    W_ir = jax.random.normal(ks[2], (D, H), jnp.float32) * si
    W_iz = jax.random.normal(ks[3], (D, H), jnp.float32) * si
    W_in = jax.random.normal(ks[4], (D, H), jnp.float32) * si
    b_ir = jnp.zeros((H,), jnp.float32)
    b_iz = jnp.zeros((H,), jnp.float32)
    b_in = jnp.zeros((H,), jnp.float32)
    W_hr = jax.random.normal(ks[5], (H, H), jnp.float32) * sh
    W_hz = jax.random.normal(ks[6], (H, H), jnp.float32) * sh
    W_hn = jax.random.normal(ks[7], (H, H), jnp.float32) * sh
    b_hn = jnp.zeros((H,), jnp.float32)
    W_out = jax.random.normal(ks[8], (H, V), jnp.float32) * sh
    b_out = jnp.zeros((V,), jnp.float32)
    return {"x": x, "carry": carry, "embed_table": embed_table,
            "W_ir": W_ir, "b_ir": b_ir, "W_iz": W_iz, "b_iz": b_iz,
            "W_in": W_in, "b_in": b_in, "W_hr": W_hr, "W_hz": W_hz,
            "W_hn": W_hn, "b_hn": b_hn, "W_out": W_out, "b_out": b_out}


def reference(x, carry, embed_table, W_ir, b_ir, W_iz, b_iz, W_in, b_in,
              W_hr, W_hz, W_hn, b_hn, W_out, b_out):
    # Embedding lookup (SparseCore gather)
    e = jnp.take(embed_table, x, axis=0)  # [B, D]
    # flax.linen.GRUCell math: dense_i has bias, dense_h (hr,hz) no bias, hn has bias
    r = jax.nn.sigmoid(e @ W_ir + b_ir + carry @ W_hr)
    z = jax.nn.sigmoid(e @ W_iz + b_iz + carry @ W_hz)
    n = jnp.tanh(e @ W_in + b_in + r * (carry @ W_hn + b_hn))
    new_h = (1.0 - z) * n + z * carry
    logits = new_h @ W_out + b_out
    return (logits, new_h)

if __name__ == "__main__":
    import jax
    _d = setup_inputs()
    print(jax.jit(kernel)(*tuple(_d.values())))

</pallas_src>

<mosaic_0001>
#map = affine_map<(d0, d1) -> (0, 0)>
#map1 = affine_map<(d0, d1) -> (0)>
module attributes {stable_mosaic.version = 14 : i64} {
  func.func @k(%arg0: i32, %arg1: i32, %arg2: memref<100000x64xf32, #tpu.memory_space<hbm>>, %arg3: memref<1024xi32, #tpu.memory_space<hbm>>, %arg4: memref<1024x64xf32, #tpu.memory_space<hbm>>, %arg5: memref<32xi32, #tpu.memory_space<vmem>>, %arg6: memref<32x64xf32, #tpu.memory_space<vmem>>, %arg7: memref<!tpu.dma_semaphore, #tpu.memory_space<semaphore_mem>>) attributes {dimension_semantics = [#tpu.dimension_semantics<core_parallel>, #tpu.dimension_semantics<subcore_parallel>], iteration_bounds = array<i64: 2, 16>, scalar_prefetch = 0 : i64, scratch_operands = 3 : i64, tpu.core_type = #tpu.core_type<sc_vector_subcore>, window_params = [{transform_indices = #map}, {transform_indices = #map1}, {transform_indices = #map}]} {
    %mul3A = arith.constant 2 : i32
    %mul3A_0 = arith.muli %arg1, %mul3A : i32
    %add3A = arith.addi %mul3A_0, %arg0 : i32
    %mul3A_1 = arith.constant 32 : i32
    %mul3A_2 = arith.muli %add3A, %mul3A_1 : i32
    "tpu.region"() ({
      %run_scoped3A = tpu.sem_alloc : memref<!tpu.dma_semaphore, #tpu.memory_space<semaphore_mem>>
      %dma_start3A_7 = tpu.memref_slice %arg3[%mul3A_2] : memref<1024xi32, #tpu.memory_space<hbm>> -> memref<32xi32, #tpu.memory_space<hbm>>
      %dma_start3A_8 = tpu.memref_slice %arg3[%mul3A_2] : memref<1024xi32, #tpu.memory_space<hbm>> -> memref<32xi32, #tpu.memory_space<hbm>>
      tpu.enqueue_dma source(%dma_start3A_8 : memref<32xi32, #tpu.memory_space<hbm>>) target(%arg5 : memref<32xi32, #tpu.memory_space<vmem>>) target_semaphore(%run_scoped3A : memref<!tpu.dma_semaphore, #tpu.memory_space<semaphore_mem>>)
      %dma_wait3A_9 = tpu.memref_slice %arg3[%mul3A_2] : memref<1024xi32, #tpu.memory_space<hbm>> -> memref<32xi32, #tpu.memory_space<hbm>>
      %dma_wait3A_10 = tpu.memref_slice %arg3[%mul3A_2] : memref<1024xi32, #tpu.memory_space<hbm>> -> memref<32xi32, #tpu.memory_space<hbm>>
      tpu.wait_dma2 semaphore(%run_scoped3A : memref<!tpu.dma_semaphore, #tpu.memory_space<semaphore_mem>>) src(%dma_wait3A_10 : memref<32xi32, #tpu.memory_space<hbm>>) dst(%arg5 : memref<32xi32, #tpu.memory_space<vmem>>)
      tpu.yield
    }) : () -> ()
    %dma_start3A = arith.constant 0 : i32
    %dma_start3A_3 = arith.constant 0 : i32
    %dma_start3A_4 = tpu.memref_slice %arg2[%dma_start3A, %dma_start3A_3] : memref<100000x64xf32, #tpu.memory_space<hbm>> -> memref<100000x64xf32, #tpu.memory_space<hbm>>
    tpu.enqueue_indirect_dma source(%dma_start3A_4 : memref<100000x64xf32, #tpu.memory_space<hbm>>) target(%arg6 : memref<32x64xf32, #tpu.memory_space<vmem>>) offsets(%arg5 : memref<32xi32, #tpu.memory_space<vmem>>) semaphore(%arg7 : memref<!tpu.dma_semaphore, #tpu.memory_space<semaphore_mem>>)
    %dma_wait3A = arith.constant 0 : i32
    %dma_wait3A_5 = arith.constant 0 : i32
    %dma_wait3A_6 = tpu.memref_slice %arg2[%dma_wait3A, %dma_wait3A_5] : memref<100000x64xf32, #tpu.memory_space<hbm>> -> memref<100000x64xf32, #tpu.memory_space<hbm>>
    tpu.wait_indirect_dma semaphore(%arg7 : memref<!tpu.dma_semaphore, #tpu.memory_space<semaphore_mem>>) src(%dma_wait3A_6 : memref<100000x64xf32, #tpu.memory_space<hbm>>) dst(%arg6 : memref<32x64xf32, #tpu.memory_space<vmem>>)
    "tpu.region"() ({
      %run_scoped3A = tpu.sem_alloc : memref<!tpu.dma_semaphore, #tpu.memory_space<semaphore_mem>>
      %dma_start3A_7 = arith.constant 0 : i32
      %dma_start3A_8 = tpu.memref_slice %arg4[%mul3A_2, %dma_start3A_7] : memref<1024x64xf32, #tpu.memory_space<hbm>> -> memref<32x64xf32, #tpu.memory_space<hbm>>
      %dma_start3A_9 = arith.constant 0 : i32
      %dma_start3A_10 = tpu.memref_slice %arg4[%mul3A_2, %dma_start3A_9] : memref<1024x64xf32, #tpu.memory_space<hbm>> -> memref<32x64xf32, #tpu.memory_space<hbm>>
      tpu.enqueue_dma source(%arg6 : memref<32x64xf32, #tpu.memory_space<vmem>>) target(%dma_start3A_10 : memref<32x64xf32, #tpu.memory_space<hbm>>) target_semaphore(%run_scoped3A : memref<!tpu.dma_semaphore, #tpu.memory_space<semaphore_mem>>)
      %dma_wait3A_11 = arith.constant 0 : i32
      %dma_wait3A_12 = tpu.memref_slice %arg4[%mul3A_2, %dma_wait3A_11] : memref<1024x64xf32, #tpu.memory_space<hbm>> -> memref<32x64xf32, #tpu.memory_space<hbm>>
      %dma_wait3A_13 = arith.constant 0 : i32
      %dma_wait3A_14 = tpu.memref_slice %arg4[%mul3A_2, %dma_wait3A_13] : memref<1024x64xf32, #tpu.memory_space<hbm>> -> memref<32x64xf32, #tpu.memory_space<hbm>>
      tpu.wait_dma2 semaphore(%run_scoped3A : memref<!tpu.dma_semaphore, #tpu.memory_space<semaphore_mem>>) src(%arg6 : memref<32x64xf32, #tpu.memory_space<vmem>>) dst(%dma_wait3A_14 : memref<32x64xf32, #tpu.memory_space<hbm>>)
      tpu.yield
    }) : () -> ()
    return
  }
}

module attributes {stable_mosaic.version = 14 : i64} {
  func.func @_gru_h_body(%arg0: memref<1024x256xf32, #tpu.memory_space<vmem>>, %arg1: memref<256x256xf32, #tpu.memory_space<vmem>>, %arg2: memref<256x256xf32, #tpu.memory_space<vmem>>, %arg3: memref<256x256xf32, #tpu.memory_space<vmem>>, %arg4: memref<1x256xf32, #tpu.memory_space<vmem>>, %arg5: memref<1024x256xf32, #tpu.memory_space<vmem>>, %arg6: memref<1024x256xf32, #tpu.memory_space<vmem>>, %arg7: memref<1024x256xf32, #tpu.memory_space<vmem>>) attributes {dimension_semantics = [], scalar_prefetch = 0 : i64, scratch_operands = 0 : i64, tpu.core_type = #tpu.core_type<tc>} {
    %get3A = arith.constant 0 : index
    %get3A_0 = arith.constant 0 : index
    %get3A_1 = vector.load %arg0[%get3A, %get3A_0] : memref<1024x256xf32, #tpu.memory_space<vmem>>, vector<1024x256xf32>
    %get3A_2 = arith.constant 0 : index
    %get3A_3 = arith.constant 0 : index
    %get3A_4 = vector.load %arg1[%get3A_2, %get3A_3] : memref<256x256xf32, #tpu.memory_space<vmem>>, vector<256x256xf32>
    %dot_general3A = arith.constant dense<0.000000e+00> : vector<1024x256xf32>
    %dot_general3A_5 = tpu.matmul %get3A_1, %get3A_4, %dot_general3A {dimension_numbers = #tpu.dot_dimension_numbers<[1], [0], [0], [1], [0, 0, 1, 1], [], []>, transpose_lhs_hint = false} : vector<1024x256xf32>, vector<256x256xf32>, vector<1024x256xf32> -> vector<1024x256xf32>
    %swap3A = arith.constant 0 : index
    %swap3A_6 = arith.constant 0 : index
    %swap3A_7 = vector.load %arg5[%swap3A, %swap3A_6] : memref<1024x256xf32, #tpu.memory_space<vmem>>, vector<1024x256xf32>
    tpu.vector_store %arg5[%swap3A, %swap3A_6], %dot_general3A_5 {strides = array<i32>} : memref<1024x256xf32, #tpu.memory_space<vmem>>, vector<1024x256xf32>,
    %get3A_8 = arith.constant 0 : index
    %get3A_9 = arith.constant 0 : index
    %get3A_10 = vector.load %arg2[%get3A_8, %get3A_9] : memref<256x256xf32, #tpu.memory_space<vmem>>, vector<256x256xf32>
    %dot_general3A_11 = arith.constant dense<0.000000e+00> : vector<1024x256xf32>
    %dot_general3A_12 = tpu.matmul %get3A_1, %get3A_10, %dot_general3A_11 {dimension_numbers = #tpu.dot_dimension_numbers<[1], [0], [0], [1], [0, 0, 1, 1], [], []>, transpose_lhs_hint = false} : vector<1024x256xf32>, vector<256x256xf32>, vector<1024x256xf32> -> vector<1024x256xf32>
    %swap3A_13 = arith.constant 0 : index
    %swap3A_14 = arith.constant 0 : index
    %swap3A_15 = vector.load %arg6[%swap3A_13, %swap3A_14] : memref<1024x256xf32, #tpu.memory_space<vmem>>, vector<1024x256xf32>
    tpu.vector_store %arg6[%swap3A_13, %swap3A_14], %dot_general3A_12 {strides = array<i32>} : memref<1024x256xf32, #tpu.memory_space<vmem>>, vector<1024x256xf32>,
    %get3A_16 = arith.constant 0 : index
    %get3A_17 = arith.constant 0 : index
    %get3A_18 = vector.load %arg3[%get3A_16, %get3A_17] : memref<256x256xf32, #tpu.memory_space<vmem>>, vector<256x256xf32>
    %dot_general3A_19 = arith.constant dense<0.000000e+00> : vector<1024x256xf32>
    %dot_general3A_20 = tpu.matmul %get3A_1, %get3A_18, %dot_general3A_19 {dimension_numbers = #tpu.dot_dimension_numbers<[1], [0], [0], [1], [0, 0, 1, 1], [], []>, transpose_lhs_hint = false} : vector<1024x256xf32>, vector<256x256xf32>, vector<1024x256xf32> -> vector<1024x256xf32>
    %get3A_21 = arith.constant 0 : index
    %get3A_22 = arith.constant 0 : index
    %get3A_23 = vector.load %arg4[%get3A_21, %get3A_22] : memref<1x256xf32, #tpu.memory_space<vmem>>, vector<1x256xf32>
    %add3A = vector.broadcast %get3A_23 : vector<1x256xf32> to vector<1024x256xf32>
    %add3A_24 = arith.addf %dot_general3A_20, %add3A : vector<1024x256xf32>
    %swap3A_25 = arith.constant 0 : index
    %swap3A_26 = arith.constant 0 : index
    %swap3A_27 = vector.load %arg7[%swap3A_25, %swap3A_26] : memref<1024x256xf32, #tpu.memory_space<vmem>>, vector<1024x256xf32>
    tpu.vector_store %arg7[%swap3A_25, %swap3A_26], %add3A_24 {strides = array<i32>} : memref<1024x256xf32, #tpu.memory_space<vmem>>, vector<1024x256xf32>,
    return
  }
}

module attributes {stable_mosaic.version = 14 : i64} {
  func.func @_gru_e_body(%arg0: memref<1024x64xf32, #tpu.memory_space<vmem>>, %arg1: memref<1024x256xf32, #tpu.memory_space<vmem>>, %arg2: memref<1024x256xf32, #tpu.memory_space<vmem>>, %arg3: memref<1024x256xf32, #tpu.memory_space<vmem>>, %arg4: memref<1024x256xf32, #tpu.memory_space<vmem>>, %arg5: memref<64x256xf32, #tpu.memory_space<vmem>>, %arg6: memref<1x256xf32, #tpu.memory_space<vmem>>, %arg7: memref<64x256xf32, #tpu.memory_space<vmem>>, %arg8: memref<1x256xf32, #tpu.memory_space<vmem>>, %arg9: memref<64x256xf32, #tpu.memory_space<vmem>>, %arg10: memref<1x256xf32, #tpu.memory_space<vmem>>, %arg11: memref<256x32xf32, #tpu.memory_space<vmem>>, %arg12: memref<1x32xf32, #tpu.memory_space<vmem>>, %arg13: memref<1024x256xf32, #tpu.memory_space<vmem>>, %arg14: memref<1024x256xbf16, #tpu.memory_space<vmem>>, %arg15: memref<1024x32xf32, #tpu.memory_space<vmem>>) attributes {dimension_semantics = [], scalar_prefetch = 0 : i64, scratch_operands = 0 : i64, tpu.core_type = #tpu.core_type<tc>} {
    %get3A = arith.constant 0 : index
    %get3A_0 = arith.constant 0 : index
    %get3A_1 = vector.load %arg0[%get3A, %get3A_0] : memref<1024x64xf32, #tpu.memory_space<vmem>>, vector<1024x64xf32>
    %get3A_2 = arith.constant 0 : index
    %get3A_3 = arith.constant 0 : index
    %get3A_4 = vector.load %arg1[%get3A_2, %get3A_3] : memref<1024x256xf32, #tpu.memory_space<vmem>>, vector<1024x256xf32>
    %get3A_5 = arith.constant 0 : index
    %get3A_6 = arith.constant 0 : index
    %get3A_7 = vector.load %arg5[%get3A_5, %get3A_6] : memref<64x256xf32, #tpu.memory_space<vmem>>, vector<64x256xf32>
    %dot_general3A = arith.constant dense<0.000000e+00> : vector<1024x256xf32>
    %dot_general3A_8 = tpu.matmul %get3A_1, %get3A_7, %dot_general3A {dimension_numbers = #tpu.dot_dimension_numbers<[1], [0], [0], [1], [0, 0, 1, 1], [], []>, transpose_lhs_hint = false} : vector<1024x64xf32>, vector<64x256xf32>, vector<1024x256xf32> -> vector<1024x256xf32>
    %get3A_9 = arith.constant 0 : index
    %get3A_10 = arith.constant 0 : index
    %get3A_11 = vector.load %arg6[%get3A_9, %get3A_10] : memref<1x256xf32, #tpu.memory_space<vmem>>, vector<1x256xf32>
    %add3A = vector.broadcast %get3A_11 : vector<1x256xf32> to vector<1024x256xf32>
    %add3A_12 = arith.addf %dot_general3A_8, %add3A : vector<1024x256xf32>
    %get3A_13 = arith.constant 0 : index
    %get3A_14 = arith.constant 0 : index
    %get3A_15 = vector.load %arg2[%get3A_13, %get3A_14] : memref<1024x256xf32, #tpu.memory_space<vmem>>, vector<1024x256xf32>
    %add3A_16 = arith.addf %add3A_12, %get3A_15 : vector<1024x256xf32>
    %logistic3A = arith.negf %add3A_16 : vector<1024x256xf32>
    %logistic3A_17 = math.exp %logistic3A : vector<1024x256xf32>
    %logistic3A_18 = arith.constant 1.000000e+00 : f32
    %logistic3A_19 = vector.broadcast %logistic3A_18 : f32 to vector<1024x256xf32>
    %logistic3A_20 = arith.addf %logistic3A_19, %logistic3A_17 : vector<1024x256xf32>
    %logistic3A_21 = arith.divf %logistic3A_19, %logistic3A_20 : vector<1024x256xf32>
    %get3A_22 = arith.constant 0 : index
    %get3A_23 = arith.constant 0 : index
    %get3A_24 = vector.load %arg7[%get3A_22, %get3A_23] : memref<64x256xf32, #tpu.memory_space<vmem>>, vector<64x256xf32>
    %dot_general3A_25 = arith.constant dense<0.000000e+00> : vector<1024x256xf32>
    %dot_general3A_26 = tpu.matmul %get3A_1, %get3A_24, %dot_general3A_25 {dimension_numbers = #tpu.dot_dimension_numbers<[1], [0], [0], [1], [0, 0, 1, 1], [], []>, transpose_lhs_hint = false} : vector<1024x64xf32>, vector<64x256xf32>, vector<1024x256xf32> -> vector<1024x256xf32>
    %get3A_27 = arith.constant 0 : index
    %get3A_28 = arith.constant 0 : index
    %get3A_29 = vector.load %arg8[%get3A_27, %get3A_28] : memref<1x256xf32, #tpu.memory_space<vmem>>, vector<1x256xf32>
    %add3A_30 = vector.broadcast %get3A_29 : vector<1x256xf32> to vector<1024x256xf32>
    %add3A_31 = arith.addf %dot_general3A_26, %add3A_30 : vector<1024x256xf32>
    %get3A_32 = arith.constant 0 : index
    %get3A_33 = arith.constant 0 : index
    %get3A_34 = vector.load %arg3[%get3A_32, %get3A_33] : memref<1024x256xf32, #tpu.memory_space<vmem>>, vector<1024x256xf32>
    %add3A_35 = arith.addf %add3A_31, %get3A_34 : vector<1024x256xf32>
    %logistic3A_36 = arith.negf %add3A_35 : vector<1024x256xf32>
    %logistic3A_37 = math.exp %logistic3A_36 : vector<1024x256xf32>
    %logistic3A_38 = arith.constant 1.000000e+00 : f32
    %logistic3A_39 = vector.broadcast %logistic3A_38 : f32 to vector<1024x256xf32>
    %logistic3A_40 = arith.addf %logistic3A_39, %logistic3A_37 : vector<1024x256xf32>
    %logistic3A_41 = arith.divf %logistic3A_39, %logistic3A_40 : vector<1024x256xf32>
    %get3A_42 = arith.constant 0 : index
    %get3A_43 = arith.constant 0 : index
    %get3A_44 = vector.load %arg9[%get3A_42, %get3A_43] : memref<64x256xf32, #tpu.memory_space<vmem>>, vector<64x256xf32>
    %dot_general3A_45 = arith.constant dense<0.000000e+00> : vector<1024x256xf32>
    %dot_general3A_46 = tpu.matmul %get3A_1, %get3A_44, %dot_general3A_45 {dimension_numbers = #tpu.dot_dimension_numbers<[1], [0], [0], [1], [0, 0, 1, 1], [], []>, transpose_lhs_hint = false} : vector<1024x64xf32>, vector<64x256xf32>, vector<1024x256xf32> -> vector<1024x256xf32>
    %get3A_47 = arith.constant 0 : index
    %get3A_48 = arith.constant 0 : index
    %get3A_49 = vector.load %arg10[%get3A_47, %get3A_48] : memref<1x256xf32, #tpu.memory_space<vmem>>, vector<1x256xf32>
    %add3A_50 = vector.broadcast %get3A_49 : vector<1x256xf32> to vector<1024x256xf32>
    %add3A_51 = arith.addf %dot_general3A_46, %add3A_50 : vector<1024x256xf32>
    %get3A_52 = arith.constant 0 : index
    %get3A_53 = arith.constant 0 : index
    %get3A_54 = vector.load %arg4[%get3A_52, %get3A_53] : memref<1024x256xf32, #tpu.memory_space<vmem>>, vector<1024x256xf32>
    %mul3A = arith.mulf %logistic3A_21, %get3A_54 : vector<1024x256xf32>
    %add3A_55 = arith.addf %add3A_51, %mul3A : vector<1024x256xf32>
    %tanh3A = math.tanh %add3A_55 : vector<1024x256xf32>
    %sub3A = arith.constant 1.000000e+00 : f32
    %sub3A_56 = vector.broadcast %sub3A : f32 to vector<1024x256xf32>
    %sub3A_57 = arith.subf %sub3A_56, %logistic3A_41 : vector<1024x256xf32>
    %mul3A_58 = arith.mulf %sub3A_57, %tanh3A : vector<1024x256xf32>
    %mul3A_59 = arith.mulf %logistic3A_41, %get3A_4 : vector<1024x256xf32>
    %add3A_60 = arith.addf %mul3A_58, %mul3A_59 : vector<1024x256xf32>
    %swap3A = arith.constant 0 : index
    %swap3A_61 = arith.constant 0 : index
    %swap3A_62 = vector.load %arg13[%swap3A, %swap3A_61] : memref<1024x256xf32, #tpu.memory_space<vmem>>, vector<1024x256xf32>
    tpu.vector_store %arg13[%swap3A, %swap3A_61], %add3A_60 {strides = array<i32>} : memref<1024x256xf32, #tpu.memory_space<vmem>>, vector<1024x256xf32>,
    %convert_element_type3A = arith.truncf %add3A_60 : vector<1024x256xf32> to vector<1024x256xbf16>
    %swap3A_63 = arith.constant 0 : index
    %swap3A_64 = arith.constant 0 : index
    %swap3A_65 = vector.load %arg14[%swap3A_63, %swap3A_64] : memref<1024x256xbf16, #tpu.memory_space<vmem>>, vector<1024x256xbf16>
    tpu.vector_store %arg14[%swap3A_63, %swap3A_64], %convert_element_type3A {strides = array<i32>} : memref<1024x256xbf16, #tpu.memory_space<vmem>>, vector<1024x256xbf16>,
    %get3A_66 = arith.constant 0 : index
    %get3A_67 = arith.constant 0 : index
    %get3A_68 = vector.load %arg11[%get3A_66, %get3A_67] : memref<256x32xf32, #tpu.memory_space<vmem>>, vector<256x32xf32>
    %convert_element_type3A_69 = arith.truncf %get3A_68 : vector<256x32xf32> to vector<256x32xbf16>
    %dot_general3A_70 = arith.constant dense<0.000000e+00> : vector<1024x32xf32>
    %dot_general3A_71 = tpu.matmul %convert_element_type3A, %convert_element_type3A_69, %dot_general3A_70 {dimension_numbers = #tpu.dot_dimension_numbers<[1], [0], [0], [1], [0, 0, 1, 1], [], []>, transpose_lhs_hint = false} : vector<1024x256xbf16>, vector<256x32xbf16>, vector<1024x32xf32> -> vector<1024x32xf32>
    %get3A_72 = arith.constant 0 : index
    %get3A_73 = arith.constant 0 : index
    %get3A_74 = vector.load %arg12[%get3A_72, %get3A_73] : memref<1x32xf32, #tpu.memory_space<vmem>>, vector<1x32xf32>
    %add3A_75 = vector.broadcast %get3A_74 : vector<1x32xf32> to vector<1024x32xf32>
    %add3A_76 = arith.addf %dot_general3A_71, %add3A_75 : vector<1024x32xf32>
    %swap3A_77 = arith.constant 0 : index
    %swap3A_78 = arith.constant 0 : index
    %swap3A_79 = vector.load %arg15[%swap3A_77, %swap3A_78] : memref<1024x32xf32, #tpu.memory_space<vmem>>, vector<1024x32xf32>
    tpu.vector_store %arg15[%swap3A_77, %swap3A_78], %add3A_76 {strides = array<i32>} : memref<1024x32xf32, #tpu.memory_space<vmem>>, vector<1024x32xf32>,
    return
  }
}

module attributes {stable_mosaic.version = 14 : i64} {
  func.func @body(%arg0: i32, %arg1: memref<1024x256xbf16, #tpu.memory_space<vmem>>, %arg2: memref<256x2048xf32, #tpu.memory_space<vmem>>, %arg3: memref<1x2048xf32, #tpu.memory_space<vmem>>, %arg4: memref<1024x100000xf32, #tpu.memory_space<any>>, %arg5: memref<3x1024x2048xf32, #tpu.memory_space<vmem>>, %arg6: memref<3x4x!tpu.dma_semaphore, #tpu.memory_space<semaphore_mem>>) attributes {dimension_semantics = [#tpu.dimension_semantics<arbitrary>], iteration_bounds = array<i64: 49>, scalar_prefetch = 0 : i64, scratch_operands = 2 : i64, tpu.core_type = #tpu.core_type<tc>, window_params = [{pipeline_mode = #tpu.pipeline_mode<synchronous>, transform_indices = @transform_0, window_bounds = array<i64: 1024, 256>}, {transform_indices = @transform_1, window_bounds = array<i64: 256, 2048>}, {transform_indices = @transform_2, window_bounds = array<i64: 1, 2048>}, {}]} {
    %rem3A = arith.constant 3 : i32
    %rem3A_0 = arith.remsi %arg0, %rem3A : i32
    %ge3A = arith.constant 3 : i32
    %ge3A_1 = arith.cmpi sge, %arg0, %ge3A : i32
    %convert_element_type3A = arith.extui %ge3A_1 : i1 to i32
    %cond3A = arith.constant 0 : i32
    %cond3A_2 = arith.cmpi ne, %convert_element_type3A, %cond3A : i32
    scf.if %cond3A_2 {
      %sub3A = arith.constant 3 : i32
      %sub3A_27 = arith.subi %arg0, %sub3A : i32
      %mul3A = arith.constant 2048 : i32
      %mul3A_28 = arith.muli %sub3A_27, %mul3A : i32
      %multiple_of3A = tpu.assume_multiple %mul3A_28, 2048 : i32
      %dma_wait3A = arith.constant 0 : i32
      %dma_wait3A_29 = tpu.memref_slice %arg6[%rem3A_0, %dma_wait3A] : memref<3x4x!tpu.dma_semaphore, #tpu.memory_space<semaphore_mem>> -> memref<1x1x!tpu.dma_semaphore, #tpu.memory_space<semaphore_mem>>
      %dma_wait3A_30 = tpu.memref_squeeze %dma_wait3A_29 : memref<1x1x!tpu.dma_semaphore, #tpu.memory_space<semaphore_mem>> -> memref<!tpu.dma_semaphore, #tpu.memory_space<semaphore_mem>>
      %dma_wait3A_31 = arith.constant 0 : i32
      %dma_wait3A_32 = tpu.memref_slice %arg4[%dma_wait3A_31, %multiple_of3A] : memref<1024x100000xf32, #tpu.memory_space<any>> -> memref<256x2048xf32, #tpu.memory_space<any>>
      %dma_wait3A_33 = arith.constant 0 : i32
      %dma_wait3A_34 = arith.constant 0 : i32
      %dma_wait3A_35 = tpu.memref_slice %arg5[%rem3A_0, %dma_wait3A_33, %dma_wait3A_34] : memref<3x1024x2048xf32, #tpu.memory_space<vmem>> -> memref<1x256x2048xf32, #tpu.memory_space<vmem>>
      %dma_wait3A_36 = tpu.memref_squeeze %dma_wait3A_35 : memref<1x256x2048xf32, #tpu.memory_space<vmem>> -> memref<256x2048xf32, #tpu.memory_space<vmem>>
      tpu.wait_dma2 semaphore(%dma_wait3A_30 : memref<!tpu.dma_semaphore, #tpu.memory_space<semaphore_mem>>) src(%dma_wait3A_36 : memref<256x2048xf32, #tpu.memory_space<vmem>>) dst(%dma_wait3A_32 : memref<256x2048xf32, #tpu.memory_space<any>>)
      %sub3A_37 = arith.constant 3 : i32
      %sub3A_38 = arith.subi %arg0, %sub3A_37 : i32
      %mul3A_39 = arith.constant 2048 : i32
      %mul3A_40 = arith.muli %sub3A_38, %mul3A_39 : i32
      %multiple_of3A_41 = tpu.assume_multiple %mul3A_40, 2048 : i32
      %dma_wait3A_42 = arith.constant 1 : i32
      %dma_wait3A_43 = tpu.memref_slice %arg6[%rem3A_0, %dma_wait3A_42] : memref<3x4x!tpu.dma_semaphore, #tpu.memory_space<semaphore_mem>> -> memref<1x1x!tpu.dma_semaphore, #tpu.memory_space<semaphore_mem>>
      %dma_wait3A_44 = tpu.memref_squeeze %dma_wait3A_43 : memref<1x1x!tpu.dma_semaphore, #tpu.memory_space<semaphore_mem>> -> memref<!tpu.dma_semaphore, #tpu.memory_space<semaphore_mem>>
      %dma_wait3A_45 = arith.constant 256 : i32
      %dma_wait3A_46 = tpu.memref_slice %arg4[%dma_wait3A_45, %multiple_of3A_41] : memref<1024x100000xf32, #tpu.memory_space<any>> -> memref<256x2048xf32, #tpu.memory_space<any>>
      %dma_wait3A_47 = arith.constant 256 : i32
      %dma_wait3A_48 = arith.constant 0 : i32
      %dma_wait3A_49 = tpu.memref_slice %arg5[%rem3A_0, %dma_wait3A_47, %dma_wait3A_48] : memref<3x1024x2048xf32, #tpu.memory_space<vmem>> -> memref<1x256x2048xf32, #tpu.memory_space<vmem>>
      %dma_wait3A_50 = tpu.memref_squeeze %dma_wait3A_49 : memref<1x256x2048xf32, #tpu.memory_space<vmem>> -> memref<256x2048xf32, #tpu.memory_space<vmem>>
      tpu.wait_dma2 semaphore(%dma_wait3A_44 : memref<!tpu.dma_semaphore, #tpu.memory_space<semaphore_mem>>) src(%dma_wait3A_50 : memref<256x2048xf32, #tpu.memory_space<vmem>>) dst(%dma_wait3A_46 : memref<256x2048xf32, #tpu.memory_space<any>>)
      %sub3A_51 = arith.constant 3 : i32
      %sub3A_52 = arith.subi %arg0, %sub3A_51 : i32
      %mul3A_53 = arith.constant 2048 : i32
      %mul3A_54 = arith.muli %sub3A_52, %mul3A_53 : i32
      %multiple_of3A_55 = tpu.assume_multiple %mul3A_54, 2048 : i32
      %dma_wait3A_56 = arith.constant 2 : i32
      %dma_wait3A_57 = tpu.memref_slice %arg6[%rem3A_0, %dma_wait3A_56] : memref<3x4x!tpu.dma_semaphore, #tpu.memory_space<semaphore_mem>> -> memref<1x1x!tpu.dma_semaphore, #tpu.memory_space<semaphore_mem>>
      %dma_wait3A_58 = tpu.memref_squeeze %dma_wait3A_57 : memref<1x1x!tpu.dma_semaphore, #tpu.memory_space<semaphore_mem>> -> memref<!tpu.dma_semaphore, #tpu.memory_space<semaphore_mem>>
      %dma_wait3A_59 = arith.constant 512 : i32
      %dma_wait3A_60 = tpu.memref_slice %arg4[%dma_wait3A_59, %multiple_of3A_55] : memref<1024x100000xf32, #tpu.memory_space<any>> -> memref<256x2048xf32, #tpu.memory_space<any>>
      %dma_wait3A_61 = arith.constant 512 : i32
      %dma_wait3A_62 = arith.constant 0 : i32
      %dma_wait3A_63 = tpu.memref_slice %arg5[%rem3A_0, %dma_wait3A_61, %dma_wait3A_62] : memref<3x1024x2048xf32, #tpu.memory_space<vmem>> -> memref<1x256x2048xf32, #tpu.memory_space<vmem>>
      %dma_wait3A_64 = tpu.memref_squeeze %dma_wait3A_63 : memref<1x256x2048xf32, #tpu.memory_space<vmem>> -> memref<256x2048xf32, #tpu.memory_space<vmem>>
      tpu.wait_dma2 semaphore(%dma_wait3A_58 : memref<!tpu.dma_semaphore, #tpu.memory_space<semaphore_mem>>) src(%dma_wait3A_64 : memref<256x2048xf32, #tpu.memory_space<vmem>>) dst(%dma_wait3A_60 : memref<256x2048xf32, #tpu.memory_space<any>>)
      %sub3A_65 = arith.constant 3 : i32
      %sub3A_66 = arith.subi %arg0, %sub3A_65 : i32
      %mul3A_67 = arith.constant 2048 : i32
      %mul3A_68 = arith.muli %sub3A_66, %mul3A_67 : i32
      %multiple_of3A_69 = tpu.assume_multiple %mul3A_68, 2048 : i32
      %dma_wait3A_70 = arith.constant 3 : i32
      %dma_wait3A_71 = tpu.memref_slice %arg6[%rem3A_0, %dma_wait3A_70] : memref<3x4x!tpu.dma_semaphore, #tpu.memory_space<semaphore_mem>> -> memref<1x1x!tpu.dma_semaphore, #tpu.memory_space<semaphore_mem>>
      %dma_wait3A_72 = tpu.memref_squeeze %dma_wait3A_71 : memref<1x1x!tpu.dma_semaphore, #tpu.memory_space<semaphore_mem>> -> memref<!tpu.dma_semaphore, #tpu.memory_space<semaphore_mem>>
      %dma_wait3A_73 = arith.constant 768 : i32
      %dma_wait3A_74 = tpu.memref_slice %arg4[%dma_wait3A_73, %multiple_of3A_69] : memref<1024x100000xf32, #tpu.memory_space<any>> -> memref<256x2048xf32, #tpu.memory_space<any>>
      %dma_wait3A_75 = arith.constant 768 : i32
      %dma_wait3A_76 = arith.constant 0 : i32
      %dma_wait3A_77 = tpu.memref_slice %arg5[%rem3A_0, %dma_wait3A_75, %dma_wait3A_76] : memref<3x1024x2048xf32, #tpu.memory_space<vmem>> -> memref<1x256x2048xf32, #tpu.memory_space<vmem>>
      %dma_wait3A_78 = tpu.memref_squeeze %dma_wait3A_77 : memref<1x256x2048xf32, #tpu.memory_space<vmem>> -> memref<256x2048xf32, #tpu.memory_space<vmem>>
      tpu.wait_dma2 semaphore(%dma_wait3A_72 : memref<!tpu.dma_semaphore, #tpu.memory_space<semaphore_mem>>) src(%dma_wait3A_78 : memref<256x2048xf32, #tpu.memory_space<vmem>>) dst(%dma_wait3A_74 : memref<256x2048xf32, #tpu.memory_space<any>>)
    } else {
    }
    %get3A = arith.constant 0 : index
    %get3A_3 = arith.constant 0 : index
    %get3A_4 = vector.load %arg1[%get3A, %get3A_3] : memref<1024x256xbf16, #tpu.memory_space<vmem>>, vector<1024x256xbf16>
    %get3A_5 = arith.constant 0 : index
    %get3A_6 = arith.constant 0 : index
    %get3A_7 = vector.load %arg2[%get3A_5, %get3A_6] : memref<256x2048xf32, #tpu.memory_space<vmem>>, vector<256x2048xf32>
    %convert_element_type3A_8 = arith.truncf %get3A_7 : vector<256x2048xf32> to vector<256x2048xbf16>
    %dot_general3A = arith.constant dense<0.000000e+00> : vector<1024x2048xf32>
    %dot_general3A_9 = tpu.matmul %get3A_4, %convert_element_type3A_8, %dot_general3A {dimension_numbers = #tpu.dot_dimension_numbers<[1], [0], [0], [1], [0, 0, 1, 1], [], []>, transpose_lhs_hint = false} : vector<1024x256xbf16>, vector<256x2048xbf16>, vector<1024x2048xf32> -> vector<1024x2048xf32>
    %get3A_10 = arith.constant 0 : index
    %get3A_11 = arith.constant 0 : index
    %get3A_12 = vector.load %arg3[%get3A_10, %get3A_11] : memref<1x2048xf32, #tpu.memory_space<vmem>>, vector<1x2048xf32>
    %add3A = vector.broadcast %get3A_12 : vector<1x2048xf32> to vector<1024x2048xf32>
    %add3A_13 = arith.addf %dot_general3A_9, %add3A : vector<1024x2048xf32>
    %swap3A = arith.index_cast %rem3A_0 : i32 to index
    %swap3A_14 = arith.constant 0 : index
    %swap3A_15 = arith.constant 0 : index
    %swap3A_16 = vector.load %arg5[%swap3A, %swap3A_14, %swap3A_15] : memref<3x1024x2048xf32, #tpu.memory_space<vmem>>, vector<1x1024x2048xf32>
    %swap3A_17 = vector.shape_cast %swap3A_16 : vector<1x1024x2048xf32> to vector<1024x2048xf32>
    %swap3A_18 = vector.shape_cast %add3A_13 : vector<1024x2048xf32> to vector<1x1024x2048xf32>
    tpu.vector_store %arg5[%swap3A, %swap3A_14, %swap3A_15], %swap3A_18 {strides = array<i32>} : memref<3x1024x2048xf32, #tpu.memory_space<vmem>>, vector<1x1024x2048xf32>,
    %lt3A = arith.constant 48 : i32
    %lt3A_19 = arith.cmpi slt, %arg0, %lt3A : i32
    %convert_element_type3A_20 = arith.extui %lt3A_19 : i1 to i32
    %cond3A_21 = arith.constant 0 : i32
    %cond3A_22 = arith.cmpi ne, %convert_element_type3A_20, %cond3A_21 : i32
    scf.if %cond3A_22 {
      %mul3A = arith.constant 2048 : i32
      %mul3A_27 = arith.muli %arg0, %mul3A : i32
      %multiple_of3A = tpu.assume_multiple %mul3A_27, 2048 : i32
      %dma_start3A = arith.constant 0 : i32
      %dma_start3A_28 = tpu.memref_slice %arg6[%rem3A_0, %dma_start3A] : memref<3x4x!tpu.dma_semaphore, #tpu.memory_space<semaphore_mem>> -> memref<1x1x!tpu.dma_semaphore, #tpu.memory_space<semaphore_mem>>
      %dma_start3A_29 = tpu.memref_squeeze %dma_start3A_28 : memref<1x1x!tpu.dma_semaphore, #tpu.memory_space<semaphore_mem>> -> memref<!tpu.dma_semaphore, #tpu.memory_space<semaphore_mem>>
      %dma_start3A_30 = arith.constant 0 : i32
      %dma_start3A_31 = tpu.memref_slice %arg4[%dma_start3A_30, %multiple_of3A] : memref<1024x100000xf32, #tpu.memory_space<any>> -> memref<256x2048xf32, #tpu.memory_space<any>>
      %dma_start3A_32 = arith.constant 0 : i32
      %dma_start3A_33 = arith.constant 0 : i32
      %dma_start3A_34 = tpu.memref_slice %arg5[%rem3A_0, %dma_start3A_32, %dma_start3A_33] : memref<3x1024x2048xf32, #tpu.memory_space<vmem>> -> memref<1x256x2048xf32, #tpu.memory_space<vmem>>
      %dma_start3A_35 = tpu.memref_squeeze %dma_start3A_34 : memref<1x256x2048xf32, #tpu.memory_space<vmem>> -> memref<256x2048xf32, #tpu.memory_space<vmem>>
      tpu.enqueue_dma source(%dma_start3A_35 : memref<256x2048xf32, #tpu.memory_space<vmem>>) target(%dma_start3A_31 : memref<256x2048xf32, #tpu.memory_space<any>>) target_semaphore(%dma_start3A_29 : memref<!tpu.dma_semaphore, #tpu.memory_space<semaphore_mem>>)
      %mul3A_36 = arith.constant 2048 : i32
      %mul3A_37 = arith.muli %arg0, %mul3A_36 : i32
      %multiple_of3A_38 = tpu.assume_multiple %mul3A_37, 2048 : i32
      %dma_start3A_39 = arith.constant 1 : i32
      %dma_start3A_40 = tpu.memref_slice %arg6[%rem3A_0, %dma_start3A_39] : memref<3x4x!tpu.dma_semaphore, #tpu.memory_space<semaphore_mem>> -> memref<1x1x!tpu.dma_semaphore, #tpu.memory_space<semaphore_mem>>
      %dma_start3A_41 = tpu.memref_squeeze %dma_start3A_40 : memref<1x1x!tpu.dma_semaphore, #tpu.memory_space<semaphore_mem>> -> memref<!tpu.dma_semaphore, #tpu.memory_space<semaphore_mem>>
      %dma_start3A_42 = arith.constant 256 : i32
      %dma_start3A_43 = tpu.memref_slice %arg4[%dma_start3A_42, %multiple_of3A_38] : memref<1024x100000xf32, #tpu.memory_space<any>> -> memref<256x2048xf32, #tpu.memory_space<any>>
      %dma_start3A_44 = arith.constant 256 : i32
      %dma_start3A_45 = arith.constant 0 : i32
      %dma_start3A_46 = tpu.memref_slice %arg5[%rem3A_0, %dma_start3A_44, %dma_start3A_45] : memref<3x1024x2048xf32, #tpu.memory_space<vmem>> -> memref<1x256x2048xf32, #tpu.memory_space<vmem>>
      %dma_start3A_47 = tpu.memref_squeeze %dma_start3A_46 : memref<1x256x2048xf32, #tpu.memory_space<vmem>> -> memref<256x2048xf32, #tpu.memory_space<vmem>>
      tpu.enqueue_dma source(%dma_start3A_47 : memref<256x2048xf32, #tpu.memory_space<vmem>>) target(%dma_start3A_43 : memref<256x2048xf32, #tpu.memory_space<any>>) target_semaphore(%dma_start3A_41 : memref<!tpu.dma_semaphore, #tpu.memory_space<semaphore_mem>>)
      %mul3A_48 = arith.constant 2048 : i32
      %mul3A_49 = arith.muli %arg0, %mul3A_48 : i32
      %multiple_of3A_50 = tpu.assume_multiple %mul3A_49, 2048 : i32
      %dma_start3A_51 = arith.constant 2 : i32
      %dma_start3A_52 = tpu.memref_slice %arg6[%rem3A_0, %dma_start3A_51] : memref<3x4x!tpu.dma_semaphore, #tpu.memory_space<semaphore_mem>> -> memref<1x1x!tpu.dma_semaphore, #tpu.memory_space<semaphore_mem>>
      %dma_start3A_53 = tpu.memref_squeeze %dma_start3A_52 : memref<1x1x!tpu.dma_semaphore, #tpu.memory_space<semaphore_mem>> -> memref<!tpu.dma_semaphore, #tpu.memory_space<semaphore_mem>>
      %dma_start3A_54 = arith.constant 512 : i32
      %dma_start3A_55 = tpu.memref_slice %arg4[%dma_start3A_54, %multiple_of3A_50] : memref<1024x100000xf32, #tpu.memory_space<any>> -> memref<256x2048xf32, #tpu.memory_space<any>>
      %dma_start3A_56 = arith.constant 512 : i32
      %dma_start3A_57 = arith.constant 0 : i32
      %dma_start3A_58 = tpu.memref_slice %arg5[%rem3A_0, %dma_start3A_56, %dma_start3A_57] : memref<3x1024x2048xf32, #tpu.memory_space<vmem>> -> memref<1x256x2048xf32, #tpu.memory_space<vmem>>
      %dma_start3A_59 = tpu.memref_squeeze %dma_start3A_58 : memref<1x256x2048xf32, #tpu.memory_space<vmem>> -> memref<256x2048xf32, #tpu.memory_space<vmem>>
      tpu.enqueue_dma source(%dma_start3A_59 : memref<256x2048xf32, #tpu.memory_space<vmem>>) target(%dma_start3A_55 : memref<256x2048xf32, #tpu.memory_space<any>>) target_semaphore(%dma_start3A_53 : memref<!tpu.dma_semaphore, #tpu.memory_space<semaphore_mem>>)
      %mul3A_60 = arith.constant 2048 : i32
      %mul3A_61 = arith.muli %arg0, %mul3A_60 : i32
      %multiple_of3A_62 = tpu.assume_multiple %mul3A_61, 2048 : i32
      %dma_start3A_63 = arith.constant 3 : i32
      %dma_start3A_64 = tpu.memref_slice %arg6[%rem3A_0, %dma_start3A_63] : memref<3x4x!tpu.dma_semaphore, #tpu.memory_space<semaphore_mem>> -> memref<1x1x!tpu.dma_semaphore, #tpu.memory_space<semaphore_mem>>
      %dma_start3A_65 = tpu.memref_squeeze %dma_start3A_64 : memref<1x1x!tpu.dma_semaphore, #tpu.memory_space<semaphore_mem>> -> memref<!tpu.dma_semaphore, #tpu.memory_space<semaphore_mem>>
      %dma_start3A_66 = arith.constant 768 : i32
      %dma_start3A_67 = tpu.memref_slice %arg4[%dma_start3A_66, %multiple_of3A_62] : memref<1024x100000xf32, #tpu.memory_space<any>> -> memref<256x2048xf32, #tpu.memory_space<any>>
      %dma_start3A_68 = arith.constant 768 : i32
      %dma_start3A_69 = arith.constant 0 : i32
      %dma_start3A_70 = tpu.memref_slice %arg5[%rem3A_0, %dma_start3A_68, %dma_start3A_69] : memref<3x1024x2048xf32, #tpu.memory_space<vmem>> -> memref<1x256x2048xf32, #tpu.memory_space<vmem>>
      %dma_start3A_71 = tpu.memref_squeeze %dma_start3A_70 : memref<1x256x2048xf32, #tpu.memory_space<vmem>> -> memref<256x2048xf32, #tpu.memory_space<vmem>>
      tpu.enqueue_dma source(%dma_start3A_71 : memref<256x2048xf32, #tpu.memory_space<vmem>>) target(%dma_start3A_67 : memref<256x2048xf32, #tpu.memory_space<any>>) target_semaphore(%dma_start3A_65 : memref<!tpu.dma_semaphore, #tpu.memory_space<semaphore_mem>>)
    } else {
    }
    %eq3A = arith.constant 48 : i32
    %eq3A_23 = arith.cmpi eq, %arg0, %eq3A : i32
    %convert_element_type3A_24 = arith.extui %eq3A_23 : i1 to i32
    %cond3A_25 = arith.constant 0 : i32
    %cond3A_26 = arith.cmpi ne, %convert_element_type3A_24, %cond3A_25 : i32
    scf.if %cond3A_26 {
      %dma_start3A = arith.constant 0 : i32
      %dma_start3A_27 = tpu.memref_slice %arg6[%rem3A_0, %dma_start3A] : memref<3x4x!tpu.dma_semaphore, #tpu.memory_space<semaphore_mem>> -> memref<1x1x!tpu.dma_semaphore, #tpu.memory_space<semaphore_mem>>
      %dma_start3A_28 = tpu.memref_squeeze %dma_start3A_27 : memref<1x1x!tpu.dma_semaphore, #tpu.memory_space<semaphore_mem>> -> memref<!tpu.dma_semaphore, #tpu.memory_space<semaphore_mem>>
      %dma_start3A_29 = arith.constant 0 : i32
      %dma_start3A_30 = arith.constant 98304 : i32
      %dma_start3A_31 = tpu.memref_slice %arg4[%dma_start3A_29, %dma_start3A_30] : memref<1024x100000xf32, #tpu.memory_space<any>> -> memref<256x1664xf32, #tpu.memory_space<any>>
      %dma_start3A_32 = arith.constant 0 : i32
      %dma_start3A_33 = arith.constant 0 : i32
      %dma_start3A_34 = tpu.memref_slice %arg5[%rem3A_0, %dma_start3A_32, %dma_start3A_33] : memref<3x1024x2048xf32, #tpu.memory_space<vmem>> -> memref<1x256x1664xf32, #tpu.memory_space<vmem>>
      %dma_start3A_35 = tpu.memref_squeeze %dma_start3A_34 : memref<1x256x1664xf32, #tpu.memory_space<vmem>> -> memref<256x1664xf32, #tpu.memory_space<vmem>>
      tpu.enqueue_dma source(%dma_start3A_35 : memref<256x1664xf32, #tpu.memory_space<vmem>>) target(%dma_start3A_31 : memref<256x1664xf32, #tpu.memory_space<any>>) target_semaphore(%dma_start3A_28 : memref<!tpu.dma_semaphore, #tpu.memory_space<semaphore_mem>>)
      %dma_start3A_36 = arith.constant 1 : i32
      %dma_start3A_37 = tpu.memref_slice %arg6[%rem3A_0, %dma_start3A_36] : memref<3x4x!tpu.dma_semaphore, #tpu.memory_space<semaphore_mem>> -> memref<1x1x!tpu.dma_semaphore, #tpu.memory_space<semaphore_mem>>
      %dma_start3A_38 = tpu.memref_squeeze %dma_start3A_37 : memref<1x1x!tpu.dma_semaphore, #tpu.memory_space<semaphore_mem>> -> memref<!tpu.dma_semaphore, #tpu.memory_space<semaphore_mem>>
      %dma_start3A_39 = arith.constant 256 : i32
      %dma_start3A_40 = arith.constant 98304 : i32
      %dma_start3A_41 = tpu.memref_slice %arg4[%dma_start3A_39, %dma_start3A_40] : memref<1024x100000xf32, #tpu.memory_space<any>> -> memref<256x1664xf32, #tpu.memory_space<any>>
      %dma_start3A_42 = arith.constant 256 : i32
      %dma_start3A_43 = arith.constant 0 : i32
      %dma_start3A_44 = tpu.memref_slice %arg5[%rem3A_0, %dma_start3A_42, %dma_start3A_43] : memref<3x1024x2048xf32, #tpu.memory_space<vmem>> -> memref<1x256x1664xf32, #tpu.memory_space<vmem>>
      %dma_start3A_45 = tpu.memref_squeeze %dma_start3A_44 : memref<1x256x1664xf32, #tpu.memory_space<vmem>> -> memref<256x1664xf32, #tpu.memory_space<vmem>>
      tpu.enqueue_dma source(%dma_start3A_45 : memref<256x1664xf32, #tpu.memory_space<vmem>>) target(%dma_start3A_41 : memref<256x1664xf32, #tpu.memory_space<any>>) target_semaphore(%dma_start3A_38 : memref<!tpu.dma_semaphore, #tpu.memory_space<semaphore_mem>>)
      %dma_start3A_46 = arith.constant 2 : i32
      %dma_start3A_47 = tpu.memref_slice %arg6[%rem3A_0, %dma_start3A_46] : memref<3x4x!tpu.dma_semaphore, #tpu.memory_space<semaphore_mem>> -> memref<1x1x!tpu.dma_semaphore, #tpu.memory_space<semaphore_mem>>
      %dma_start3A_48 = tpu.memref_squeeze %dma_start3A_47 : memref<1x1x!tpu.dma_semaphore, #tpu.memory_space<semaphore_mem>> -> memref<!tpu.dma_semaphore, #tpu.memory_space<semaphore_mem>>
      %dma_start3A_49 = arith.constant 512 : i32
      %dma_start3A_50 = arith.constant 98304 : i32
      %dma_start3A_51 = tpu.memref_slice %arg4[%dma_start3A_49, %dma_start3A_50] : memref<1024x100000xf32, #tpu.memory_space<any>> -> memref<256x1664xf32, #tpu.memory_space<any>>
      %dma_start3A_52 = arith.constant 512 : i32
      %dma_start3A_53 = arith.constant 0 : i32
      %dma_start3A_54 = tpu.memref_slice %arg5[%rem3A_0, %dma_start3A_52, %dma_start3A_53] : memref<3x1024x2048xf32, #tpu.memory_space<vmem>> -> memref<1x256x1664xf32, #tpu.memory_space<vmem>>
      %dma_start3A_55 = tpu.memref_squeeze %dma_start3A_54 : memref<1x256x1664xf32, #tpu.memory_space<vmem>> -> memref<256x1664xf32, #tpu.memory_space<vmem>>
      tpu.enqueue_dma source(%dma_start3A_55 : memref<256x1664xf32, #tpu.memory_space<vmem>>) target(%dma_start3A_51 : memref<256x1664xf32, #tpu.memory_space<any>>) target_semaphore(%dma_start3A_48 : memref<!tpu.dma_semaphore, #tpu.memory_space<semaphore_mem>>)
      %dma_start3A_56 = arith.constant 3 : i32
      %dma_start3A_57 = tpu.memref_slice %arg6[%rem3A_0, %dma_start3A_56] : memref<3x4x!tpu.dma_semaphore, #tpu.memory_space<semaphore_mem>> -> memref<1x1x!tpu.dma_semaphore, #tpu.memory_space<semaphore_mem>>
      %dma_start3A_58 = tpu.memref_squeeze %dma_start3A_57 : memref<1x1x!tpu.dma_semaphore, #tpu.memory_space<semaphore_mem>> -> memref<!tpu.dma_semaphore, #tpu.memory_space<semaphore_mem>>
      %dma_start3A_59 = arith.constant 768 : i32
      %dma_start3A_60 = arith.constant 98304 : i32
      %dma_start3A_61 = tpu.memref_slice %arg4[%dma_start3A_59, %dma_start3A_60] : memref<1024x100000xf32, #tpu.memory_space<any>> -> memref<256x1664xf32, #tpu.memory_space<any>>
      %dma_start3A_62 = arith.constant 768 : i32
      %dma_start3A_63 = arith.constant 0 : i32
      %dma_start3A_64 = tpu.memref_slice %arg5[%rem3A_0, %dma_start3A_62, %dma_start3A_63] : memref<3x1024x2048xf32, #tpu.memory_space<vmem>> -> memref<1x256x1664xf32, #tpu.memory_space<vmem>>
      %dma_start3A_65 = tpu.memref_squeeze %dma_start3A_64 : memref<1x256x1664xf32, #tpu.memory_space<vmem>> -> memref<256x1664xf32, #tpu.memory_space<vmem>>
      tpu.enqueue_dma source(%dma_start3A_65 : memref<256x1664xf32, #tpu.memory_space<vmem>>) target(%dma_start3A_61 : memref<256x1664xf32, #tpu.memory_space<any>>) target_semaphore(%dma_start3A_58 : memref<!tpu.dma_semaphore, #tpu.memory_space<semaphore_mem>>)
      %multiple_of3A = arith.constant 94208 : i32
      %multiple_of3A_66 = tpu.assume_multiple %multiple_of3A, 2048 : i32
      %dma_wait3A = arith.constant 1 : i32
      %dma_wait3A_67 = arith.constant 1 : i32
      %dma_wait3A_68 = arith.constant 0 : i32
      %dma_wait3A_69 = tpu.memref_slice %arg6[%dma_wait3A_67, %dma_wait3A_68] : memref<3x4x!tpu.dma_semaphore, #tpu.memory_space<semaphore_mem>> -> memref<1x1x!tpu.dma_semaphore, #tpu.memory_space<semaphore_mem>>
      %dma_wait3A_70 = tpu.memref_squeeze %dma_wait3A_69 : memref<1x1x!tpu.dma_semaphore, #tpu.memory_space<semaphore_mem>> -> memref<!tpu.dma_semaphore, #tpu.memory_space<semaphore_mem>>
      %dma_wait3A_71 = arith.constant 0 : i32
      %dma_wait3A_72 = tpu.memref_slice %arg4[%dma_wait3A_71, %multiple_of3A_66] : memref<1024x100000xf32, #tpu.memory_space<any>> -> memref<256x2048xf32, #tpu.memory_space<any>>
      %dma_wait3A_73 = arith.constant 0 : i32
      %dma_wait3A_74 = arith.constant 0 : i32
      %dma_wait3A_75 = tpu.memref_slice %arg5[%dma_wait3A, %dma_wait3A_73, %dma_wait3A_74] : memref<3x1024x2048xf32, #tpu.memory_space<vmem>> -> memref<1x256x2048xf32, #tpu.memory_space<vmem>>
      %dma_wait3A_76 = tpu.memref_squeeze %dma_wait3A_75 : memref<1x256x2048xf32, #tpu.memory_space<vmem>> -> memref<256x2048xf32, #tpu.memory_space<vmem>>
      tpu.wait_dma2 semaphore(%dma_wait3A_70 : memref<!tpu.dma_semaphore, #tpu.memory_space<semaphore_mem>>) src(%dma_wait3A_76 : memref<256x2048xf32, #tpu.memory_space<vmem>>) dst(%dma_wait3A_72 : memref<256x2048xf32, #tpu.memory_space<any>>)
      %multiple_of3A_77 = arith.constant 94208 : i32
      %multiple_of3A_78 = tpu.assume_multiple %multiple_of3A_77, 2048 : i32
      %dma_wait3A_79 = arith.constant 1 : i32
      %dma_wait3A_80 = arith.constant 1 : i32
      %dma_wait3A_81 = arith.constant 1 : i32
      %dma_wait3A_82 = tpu.memref_slice %arg6[%dma_wait3A_80, %dma_wait3A_81] : memref<3x4x!tpu.dma_semaphore, #tpu.memory_space<semaphore_mem>> -> memref<1x1x!tpu.dma_semaphore, #tpu.memory_space<semaphore_mem>>
      %dma_wait3A_83 = tpu.memref_squeeze %dma_wait3A_82 : memref<1x1x!tpu.dma_semaphore, #tpu.memory_space<semaphore_mem>> -> memref<!tpu.dma_semaphore, #tpu.memory_space<semaphore_mem>>
      %dma_wait3A_84 = arith.constant 256 : i32
      %dma_wait3A_85 = tpu.memref_slice %arg4[%dma_wait3A_84, %multiple_of3A_78] : memref<1024x100000xf32, #tpu.memory_space<any>> -> memref<256x2048xf32, #tpu.memory_space<any>>
      %dma_wait3A_86 = arith.constant 256 : i32
      %dma_wait3A_87 = arith.constant 0 : i32
      %dma_wait3A_88 = tpu.memref_slice %arg5[%dma_wait3A_79, %dma_wait3A_86, %dma_wait3A_87] : memref<3x1024x2048xf32, #tpu.memory_space<vmem>> -> memref<1x256x2048xf32, #tpu.memory_space<vmem>>
      %dma_wait3A_89 = tpu.memref_squeeze %dma_wait3A_88 : memref<1x256x2048xf32, #tpu.memory_space<vmem>> -> memref<256x2048xf32, #tpu.memory_space<vmem>>
      tpu.wait_dma2 semaphore(%dma_wait3A_83 : memref<!tpu.dma_semaphore, #tpu.memory_space<semaphore_mem>>) src(%dma_wait3A_89 : memref<256x2048xf32, #tpu.memory_space<vmem>>) dst(%dma_wait3A_85 : memref<256x2048xf32, #tpu.memory_space<any>>)
      %multiple_of3A_90 = arith.constant 94208 : i32
      %multiple_of3A_91 = tpu.assume_multiple %multiple_of3A_90, 2048 : i32
      %dma_wait3A_92 = arith.constant 1 : i32
      %dma_wait3A_93 = arith.constant 1 : i32
      %dma_wait3A_94 = arith.constant 2 : i32
      %dma_wait3A_95 = tpu.memref_slice %arg6[%dma_wait3A_93, %dma_wait3A_94] : memref<3x4x!tpu.dma_semaphore, #tpu.memory_space<semaphore_mem>> -> memref<1x1x!tpu.dma_semaphore, #tpu.memory_space<semaphore_mem>>
      %dma_wait3A_96 = tpu.memref_squeeze %dma_wait3A_95 : memref<1x1x!tpu.dma_semaphore, #tpu.memory_space<semaphore_mem>> -> memref<!tpu.dma_semaphore, #tpu.memory_space<semaphore_mem>>
      %dma_wait3A_97 = arith.constant 512 : i32
      %dma_wait3A_98 = tpu.memref_slice %arg4[%dma_wait3A_97, %multiple_of3A_91] : memref<1024x100000xf32, #tpu.memory_space<any>> -> memref<256x2048xf32, #tpu.memory_space<any>>
      %dma_wait3A_99 = arith.constant 512 : i32
      %dma_wait3A_100 = arith.constant 0 : i32
      %dma_wait3A_101 = tpu.memref_slice %arg5[%dma_wait3A_92, %dma_wait3A_99, %dma_wait3A_100] : memref<3x1024x2048xf32, #tpu.memory_space<vmem>> -> memref<1x256x2048xf32, #tpu.memory_space<vmem>>
      %dma_wait3A_102 = tpu.memref_squeeze %dma_wait3A_101 : memref<1x256x2048xf32, #tpu.memory_space<vmem>> -> memref<256x2048xf32, #tpu.memory_space<vmem>>
      tpu.wait_dma2 semaphore(%dma_wait3A_96 : memref<!tpu.dma_semaphore, #tpu.memory_space<semaphore_mem>>) src(%dma_wait3A_102 : memref<256x2048xf32, #tpu.memory_space<vmem>>) dst(%dma_wait3A_98 : memref<256x2048xf32, #tpu.memory_space<any>>)
      %multiple_of3A_103 = arith.constant 94208 : i32
      %multiple_of3A_104 = tpu.assume_multiple %multiple_of3A_103, 2048 : i32
      %dma_wait3A_105 = arith.constant 1 : i32
      %dma_wait3A_106 = arith.constant 1 : i32
      %dma_wait3A_107 = arith.constant 3 : i32
      %dma_wait3A_108 = tpu.memref_slice %arg6[%dma_wait3A_106, %dma_wait3A_107] : memref<3x4x!tpu.dma_semaphore, #tpu.memory_space<semaphore_mem>> -> memref<1x1x!tpu.dma_semaphore, #tpu.memory_space<semaphore_mem>>
      %dma_wait3A_109 = tpu.memref_squeeze %dma_wait3A_108 : memref<1x1x!tpu.dma_semaphore, #tpu.memory_space<semaphore_mem>> -> memref<!tpu.dma_semaphore, #tpu.memory_space<semaphore_mem>>
      %dma_wait3A_110 = arith.constant 768 : i32
      %dma_wait3A_111 = tpu.memref_slice %arg4[%dma_wait3A_110, %multiple_of3A_104] : memref<1024x100000xf32, #tpu.memory_space<any>> -> memref<256x2048xf32, #tpu.memory_space<any>>
      %dma_wait3A_112 = arith.constant 768 : i32
      %dma_wait3A_113 = arith.constant 0 : i32
      %dma_wait3A_114 = tpu.memref_slice %arg5[%dma_wait3A_105, %dma_wait3A_112, %dma_wait3A_113] : memref<3x1024x2048xf32, #tpu.memory_space<vmem>> -> memref<1x256x2048xf32, #tpu.memory_space<vmem>>
      %dma_wait3A_115 = tpu.memref_squeeze %dma_wait3A_114 : memref<1x256x2048xf32, #tpu.memory_space<vmem>> -> memref<256x2048xf32, #tpu.memory_space<vmem>>
      tpu.wait_dma2 semaphore(%dma_wait3A_109 : memref<!tpu.dma_semaphore, #tpu.memory_space<semaphore_mem>>) src(%dma_wait3A_115 : memref<256x2048xf32, #tpu.memory_space<vmem>>) dst(%dma_wait3A_111 : memref<256x2048xf32, #tpu.memory_space<any>>)
      %multiple_of3A_116 = arith.constant 96256 : i32
      %multiple_of3A_117 = tpu.assume_multiple %multiple_of3A_116, 2048 : i32
      %dma_wait3A_118 = arith.constant 2 : i32
      %dma_wait3A_119 = arith.constant 2 : i32
      %dma_wait3A_120 = arith.constant 0 : i32
      %dma_wait3A_121 = tpu.memref_slice %arg6[%dma_wait3A_119, %dma_wait3A_120] : memref<3x4x!tpu.dma_semaphore, #tpu.memory_space<semaphore_mem>> -> memref<1x1x!tpu.dma_semaphore, #tpu.memory_space<semaphore_mem>>
      %dma_wait3A_122 = tpu.memref_squeeze %dma_wait3A_121 : memref<1x1x!tpu.dma_semaphore, #tpu.memory_space<semaphore_mem>> -> memref<!tpu.dma_semaphore, #tpu.memory_space<semaphore_mem>>
      %dma_wait3A_123 = arith.constant 0 : i32
      %dma_wait3A_124 = tpu.memref_slice %arg4[%dma_wait3A_123, %multiple_of3A_117] : memref<1024x100000xf32, #tpu.memory_space<any>> -> memref<256x2048xf32, #tpu.memory_space<any>>
      %dma_wait3A_125 = arith.constant 0 : i32
      %dma_wait3A_126 = arith.constant 0 : i32
      %dma_wait3A_127 = tpu.memref_slice %arg5[%dma_wait3A_118, %dma_wait3A_125, %dma_wait3A_126] : memref<3x1024x2048xf32, #tpu.memory_space<vmem>> -> memref<1x256x2048xf32, #tpu.memory_space<vmem>>
      %dma_wait3A_128 = tpu.memref_squeeze %dma_wait3A_127 : memref<1x256x2048xf32, #tpu.memory_space<vmem>> -> memref<256x2048xf32, #tpu.memory_space<vmem>>
      tpu.wait_dma2 semaphore(%dma_wait3A_122 : memref<!tpu.dma_semaphore, #tpu.memory_space<semaphore_mem>>) src(%dma_wait3A_128 : memref<256x2048xf32, #tpu.memory_space<vmem>>) dst(%dma_wait3A_124 : memref<256x2048xf32, #tpu.memory_space<any>>)
      %multiple_of3A_129 = arith.constant 96256 : i32
      %multiple_of3A_130 = tpu.assume_multiple %multiple_of3A_129, 2048 : i32
      %dma_wait3A_131 = arith.constant 2 : i32
      %dma_wait3A_132 = arith.constant 2 : i32
      %dma_wait3A_133 = arith.constant 1 : i32
      %dma_wait3A_134 = tpu.memref_slice %arg6[%dma_wait3A_132, %dma_wait3A_133] : memref<3x4x!tpu.dma_semaphore, #tpu.memory_space<semaphore_mem>> -> memref<1x1x!tpu.dma_semaphore, #tpu.memory_space<semaphore_mem>>
      %dma_wait3A_135 = tpu.memref_squeeze %dma_wait3A_134 : memref<1x1x!tpu.dma_semaphore, #tpu.memory_space<semaphore_mem>> -> memref<!tpu.dma_semaphore, #tpu.memory_space<semaphore_mem>>
      %dma_wait3A_136 = arith.constant 256 : i32
      %dma_wait3A_137 = tpu.memref_slice %arg4[%dma_wait3A_136, %multiple_of3A_130] : memref<1024x100000xf32, #tpu.memory_space<any>> -> memref<256x2048xf32, #tpu.memory_space<any>>
      %dma_wait3A_138 = arith.constant 256 : i32
      %dma_wait3A_139 = arith.constant 0 : i32
      %dma_wait3A_140 = tpu.memref_slice %arg5[%dma_wait3A_131, %dma_wait3A_138, %dma_wait3A_139] : memref<3x1024x2048xf32, #tpu.memory_space<vmem>> -> memref<1x256x2048xf32, #tpu.memory_space<vmem>>
      %dma_wait3A_141 = tpu.memref_squeeze %dma_wait3A_140 : memref<1x256x2048xf32, #tpu.memory_space<vmem>> -> memref<256x2048xf32, #tpu.memory_space<vmem>>
      tpu.wait_dma2 semaphore(%dma_wait3A_135 : memref<!tpu.dma_semaphore, #tpu.memory_space<semaphore_mem>>) src(%dma_wait3A_141 : memref<256x2048xf32, #tpu.memory_space<vmem>>) dst(%dma_wait3A_137 : memref<256x2048xf32, #tpu.memory_space<any>>)
      %multiple_of3A_142 = arith.constant 96256 : i32
      %multiple_of3A_143 = tpu.assume_multiple %multiple_of3A_142, 2048 : i32
      %dma_wait3A_144 = arith.constant 2 : i32
      %dma_wait3A_145 = arith.constant 2 : i32
      %dma_wait3A_146 = arith.constant 2 : i32
      %dma_wait3A_147 = tpu.memref_slice %arg6[%dma_wait3A_145, %dma_wait3A_146] : memref<3x4x!tpu.dma_semaphore, #tpu.memory_space<semaphore_mem>> -> memref<1x1x!tpu.dma_semaphore, #tpu.memory_space<semaphore_mem>>
      %dma_wait3A_148 = tpu.memref_squeeze %dma_wait3A_147 : memref<1x1x!tpu.dma_semaphore, #tpu.memory_space<semaphore_mem>> -> memref<!tpu.dma_semaphore, #tpu.memory_space<semaphore_mem>>
      %dma_wait3A_149 = arith.constant 512 : i32
      %dma_wait3A_150 = tpu.memref_slice %arg4[%dma_wait3A_149, %multiple_of3A_143] : memref<1024x100000xf32, #tpu.memory_space<any>> -> memref<256x2048xf32, #tpu.memory_space<any>>
      %dma_wait3A_151 = arith.constant 512 : i32
      %dma_wait3A_152 = arith.constant 0 : i32
      %dma_wait3A_153 = tpu.memref_slice %arg5[%dma_wait3A_144, %dma_wait3A_151, %dma_wait3A_152] : memref<3x1024x2048xf32, #tpu.memory_space<vmem>> -> memref<1x256x2048xf32, #tpu.memory_space<vmem>>
      %dma_wait3A_154 = tpu.memref_squeeze %dma_wait3A_153 : memref<1x256x2048xf32, #tpu.memory_space<vmem>> -> memref<256x2048xf32, #tpu.memory_space<vmem>>
      tpu.wait_dma2 semaphore(%dma_wait3A_148 : memref<!tpu.dma_semaphore, #tpu.memory_space<semaphore_mem>>) src(%dma_wait3A_154 : memref<256x2048xf32, #tpu.memory_space<vmem>>) dst(%dma_wait3A_150 : memref<256x2048xf32, #tpu.memory_space<any>>)
      %multiple_of3A_155 = arith.constant 96256 : i32
      %multiple_of3A_156 = tpu.assume_multiple %multiple_of3A_155, 2048 : i32
      %dma_wait3A_157 = arith.constant 2 : i32
      %dma_wait3A_158 = arith.constant 2 : i32
      %dma_wait3A_159 = arith.constant 3 : i32
      %dma_wait3A_160 = tpu.memref_slice %arg6[%dma_wait3A_158, %dma_wait3A_159] : memref<3x4x!tpu.dma_semaphore, #tpu.memory_space<semaphore_mem>> -> memref<1x1x!tpu.dma_semaphore, #tpu.memory_space<semaphore_mem>>
      %dma_wait3A_161 = tpu.memref_squeeze %dma_wait3A_160 : memref<1x1x!tpu.dma_semaphore, #tpu.memory_space<semaphore_mem>> -> memref<!tpu.dma_semaphore, #tpu.memory_space<semaphore_mem>>
      %dma_wait3A_162 = arith.constant 768 : i32
      %dma_wait3A_163 = tpu.memref_slice %arg4[%dma_wait3A_162, %multiple_of3A_156] : memref<1024x100000xf32, #tpu.memory_space<any>> -> memref<256x2048xf32, #tpu.memory_space<any>>
      %dma_wait3A_164 = arith.constant 768 : i32
      %dma_wait3A_165 = arith.constant 0 : i32
      %dma_wait3A_166 = tpu.memref_slice %arg5[%dma_wait3A_157, %dma_wait3A_164, %dma_wait3A_165] : memref<3x1024x2048xf32, #tpu.memory_space<vmem>> -> memref<1x256x2048xf32, #tpu.memory_space<vmem>>
      %dma_wait3A_167 = tpu.memref_squeeze %dma_wait3A_166 : memref<1x256x2048xf32, #tpu.memory_space<vmem>> -> memref<256x2048xf32, #tpu.memory_space<vmem>>
      tpu.wait_dma2 semaphore(%dma_wait3A_161 : memref<!tpu.dma_semaphore, #tpu.memory_space<semaphore_mem>>) src(%dma_wait3A_167 : memref<256x2048xf32, #tpu.memory_space<vmem>>) dst(%dma_wait3A_163 : memref<256x2048xf32, #tpu.memory_space<any>>)
      %dma_wait3A_168 = arith.constant 0 : i32
      %dma_wait3A_169 = arith.constant 0 : i32
      %dma_wait3A_170 = arith.constant 0 : i32
      %dma_wait3A_171 = tpu.memref_slice %arg6[%dma_wait3A_169, %dma_wait3A_170] : memref<3x4x!tpu.dma_semaphore, #tpu.memory_space<semaphore_mem>> -> memref<1x1x!tpu.dma_semaphore, #tpu.memory_space<semaphore_mem>>
      %dma_wait3A_172 = tpu.memref_squeeze %dma_wait3A_171 : memref<1x1x!tpu.dma_semaphore, #tpu.memory_space<semaphore_mem>> -> memref<!tpu.dma_semaphore, #tpu.memory_space<semaphore_mem>>
      %dma_wait3A_173 = arith.constant 0 : i32
      %dma_wait3A_174 = arith.constant 98304 : i32
      %dma_wait3A_175 = tpu.memref_slice %arg4[%dma_wait3A_173, %dma_wait3A_174] : memref<1024x100000xf32, #tpu.memory_space<any>> -> memref<256x1664xf32, #tpu.memory_space<any>>
      %dma_wait3A_176 = arith.constant 0 : i32
      %dma_wait3A_177 = arith.constant 0 : i32
      %dma_wait3A_178 = tpu.memref_slice %arg5[%dma_wait3A_168, %dma_wait3A_176, %dma_wait3A_177] : memref<3x1024x2048xf32, #tpu.memory_space<vmem>> -> memref<1x256x1664xf32, #tpu.memory_space<vmem>>
      %dma_wait3A_179 = tpu.memref_squeeze %dma_wait3A_178 : memref<1x256x1664xf32, #tpu.memory_space<vmem>> -> memref<256x1664xf32, #tpu.memory_space<vmem>>
      tpu.wait_dma2 semaphore(%dma_wait3A_172 : memref<!tpu.dma_semaphore, #tpu.memory_space<semaphore_mem>>) src(%dma_wait3A_179 : memref<256x1664xf32, #tpu.memory_space<vmem>>) dst(%dma_wait3A_175 : memref<256x1664xf32, #tpu.memory_space<any>>)
      %dma_wait3A_180 = arith.constant 0 : i32
      %dma_wait3A_181 = arith.constant 0 : i32
      %dma_wait3A_182 = arith.constant 1 : i32
      %dma_wait3A_183 = tpu.memref_slice %arg6[%dma_wait3A_181, %dma_wait3A_182] : memref<3x4x!tpu.dma_semaphore, #tpu.memory_space<semaphore_mem>> -> memref<1x1x!tpu.dma_semaphore, #tpu.memory_space<semaphore_mem>>
      %dma_wait3A_184 = tpu.memref_squeeze %dma_wait3A_183 : memref<1x1x!tpu.dma_semaphore, #tpu.memory_space<semaphore_mem>> -> memref<!tpu.dma_semaphore, #tpu.memory_space<semaphore_mem>>
      %dma_wait3A_185 = arith.constant 256 : i32
      %dma_wait3A_186 = arith.constant 98304 : i32
      %dma_wait3A_187 = tpu.memref_slice %arg4[%dma_wait3A_185, %dma_wait3A_186] : memref<1024x100000xf32, #tpu.memory_space<any>> -> memref<256x1664xf32, #tpu.memory_space<any>>
      %dma_wait3A_188 = arith.constant 256 : i32
      %dma_wait3A_189 = arith.constant 0 : i32
      %dma_wait3A_190 = tpu.memref_slice %arg5[%dma_wait3A_180, %dma_wait3A_188, %dma_wait3A_189] : memref<3x1024x2048xf32, #tpu.memory_space<vmem>> -> memref<1x256x1664xf32, #tpu.memory_space<vmem>>
      %dma_wait3A_191 = tpu.memref_squeeze %dma_wait3A_190 : memref<1x256x1664xf32, #tpu.memory_space<vmem>> -> memref<256x1664xf32, #tpu.memory_space<vmem>>
      tpu.wait_dma2 semaphore(%dma_wait3A_184 : memref<!tpu.dma_semaphore, #tpu.memory_space<semaphore_mem>>) src(%dma_wait3A_191 : memref<256x1664xf32, #tpu.memory_space<vmem>>) dst(%dma_wait3A_187 : memref<256x1664xf32, #tpu.memory_space<any>>)
      %dma_wait3A_192 = arith.constant 0 : i32
      %dma_wait3A_193 = arith.constant 0 : i32
      %dma_wait3A_194 = arith.constant 2 : i32
      %dma_wait3A_195 = tpu.memref_slice %arg6[%dma_wait3A_193, %dma_wait3A_194] : memref<3x4x!tpu.dma_semaphore, #tpu.memory_space<semaphore_mem>> -> memref<1x1x!tpu.dma_semaphore, #tpu.memory_space<semaphore_mem>>
      %dma_wait3A_196 = tpu.memref_squeeze %dma_wait3A_195 : memref<1x1x!tpu.dma_semaphore, #tpu.memory_space<semaphore_mem>> -> memref<!tpu.dma_semaphore, #tpu.memory_space<semaphore_mem>>
      %dma_wait3A_197 = arith.constant 512 : i32
      %dma_wait3A_198 = arith.constant 98304 : i32
      %dma_wait3A_199 = tpu.memref_slice %arg4[%dma_wait3A_197, %dma_wait3A_198] : memref<1024x100000xf32, #tpu.memory_space<any>> -> memref<256x1664xf32, #tpu.memory_space<any>>
      %dma_wait3A_200 = arith.constant 512 : i32
      %dma_wait3A_201 = arith.constant 0 : i32
      %dma_wait3A_202 = tpu.memref_slice %arg5[%dma_wait3A_192, %dma_wait3A_200, %dma_wait3A_201] : memref<3x1024x2048xf32, #tpu.memory_space<vmem>> -> memref<1x256x1664xf32, #tpu.memory_space<vmem>>
      %dma_wait3A_203 = tpu.memref_squeeze %dma_wait3A_202 : memref<1x256x1664xf32, #tpu.memory_space<vmem>> -> memref<256x1664xf32, #tpu.memory_space<vmem>>
      tpu.wait_dma2 semaphore(%dma_wait3A_196 : memref<!tpu.dma_semaphore, #tpu.memory_space<semaphore_mem>>) src(%dma_wait3A_203 : memref<256x1664xf32, #tpu.memory_space<vmem>>) dst(%dma_wait3A_199 : memref<256x1664xf32, #tpu.memory_space<any>>)
      %dma_wait3A_204 = arith.constant 0 : i32
      %dma_wait3A_205 = arith.constant 0 : i32
      %dma_wait3A_206 = arith.constant 3 : i32
      %dma_wait3A_207 = tpu.memref_slice %arg6[%dma_wait3A_205, %dma_wait3A_206] : memref<3x4x!tpu.dma_semaphore, #tpu.memory_space<semaphore_mem>> -> memref<1x1x!tpu.dma_semaphore, #tpu.memory_space<semaphore_mem>>
      %dma_wait3A_208 = tpu.memref_squeeze %dma_wait3A_207 : memref<1x1x!tpu.dma_semaphore, #tpu.memory_space<semaphore_mem>> -> memref<!tpu.dma_semaphore, #tpu.memory_space<semaphore_mem>>
      %dma_wait3A_209 = arith.constant 768 : i32
      %dma_wait3A_210 = arith.constant 98304 : i32
      %dma_wait3A_211 = tpu.memref_slice %arg4[%dma_wait3A_209, %dma_wait3A_210] : memref<1024x100000xf32, #tpu.memory_space<any>> -> memref<256x1664xf32, #tpu.memory_space<any>>
      %dma_wait3A_212 = arith.constant 768 : i32
      %dma_wait3A_213 = arith.constant 0 : i32
      %dma_wait3A_214 = tpu.memref_slice %arg5[%dma_wait3A_204, %dma_wait3A_212, %dma_wait3A_213] : memref<3x1024x2048xf32, #tpu.memory_space<vmem>> -> memref<1x256x1664xf32, #tpu.memory_space<vmem>>
      %dma_wait3A_215 = tpu.memref_squeeze %dma_wait3A_214 : memref<1x256x1664xf32, #tpu.memory_space<vmem>> -> memref<256x1664xf32, #tpu.memory_space<vmem>>
      tpu.wait_dma2 semaphore(%dma_wait3A_208 : memref<!tpu.dma_semaphore, #tpu.memory_space<semaphore_mem>>) src(%dma_wait3A_215 : memref<256x1664xf32, #tpu.memory_space<vmem>>) dst(%dma_wait3A_211 : memref<256x1664xf32, #tpu.memory_space<any>>)
    } else {
    }
    return
  }
  func.func @transform_0(%arg0: i32) -> (i32, i32) {
    %c0_i32 = arith.constant 0 : i32
    %c0_i32_0 = arith.constant 0 : i32
    %c0_i32_1 = arith.constant 0 : i32
    return %c0_i32, %c0_i32_0 : i32, i32
  }
  func.func @transform_1(%arg0: i32) -> (i32, i32) {
    %c0_i32 = arith.constant 0 : i32
    %c0_i32_0 = arith.constant 0 : i32
    return %c0_i32, %arg0 : i32, i32
  }
  func.func @transform_2(%arg0: i32) -> (i32, i32) {
    %c0_i32 = arith.constant 0 : i32
    %c0_i32_0 = arith.constant 0 : i32
    return %c0_i32, %arg0 : i32, i32
  }
}

</mosaic_0001>

<sc_bundles>
// kernel: kernel.6.cloned.1.call-start
scs
__scs_entry_jumppad:
0x0: {  	(pc) =	sbr.rel $0x88, $3  }
0x1: {  	(tag) =	ssettag $0x0;
	lr =	simm.s32 $0x1  }
0x2: {  	[smem:$0x3F92] =	sst lr;
	_ =	strace $0xD0000000  }
0x3: {  	_ = 	snop  }
0x4: {  	_ = 	snop  }
0x5: {  	_ = 	snop  }
0x6: {  	_ = 	snop  }
0x7: {  	_ = 	snop  }
__scs_overlays_trampoline_lowered:
0x8: {  	[smem:$0x3FA1] =	sst s0  }
0x9: {  	[smem:$0x3FA2] =	sst s1  }
0xa: {  	[smem:$0x3FA3] =	sst s2  }
0xb: {  	[smem:$0x3FA4] =	sst s3  }
0xc: {  	[smem:$0x3FA5] =	sst s4  }
0xd: {  	[smem:$0x3FA6] =	sst s5  }
0xe: {  	[smem:$0x3FA7] =	sst s6  }
0xf: {  	[smem:$0x3FA8] =	sst s7  }
0x10: {  	[smem:$0x3FA9] =	sst s8  }
0x11: {  	[smem:$0x3FAA] =	sst s9;
	s0 =	simm.s32 @!p0 $0x0  }
0x12: {  	s1 =	sld [smem:$0x3F90];
	s0 =	simm.s32 @p0 $0x1  }
0x13: {  	[smem:$0x3FAB] =	sst s0;
	s0 =	simm.s32 @!p1 $0x0  }
0x14: {  	s2 =	sld [smem:$0x3F8F];
	s0 =	simm.s32 @p1 $0x1  }
0x15: {  	[smem:$0x3FAC] =	sst s0;
	s0 =	simm.s32 @!p2 $0x0  }
0x16: {  	s3 =	sld [smem:$0x3FDB];
	s0 =	simm.s32 @p2 $0x1  }
0x17: {  	s4 =	simm.s32 $0x1BF5;
	[smem:$0x3FAE] =	sst s0  }
0x18: {  	s0 =	sld [smem:$0x3F91];
	_ =	swait.ge [sflag:s4], $0x0  }
0x19: {  	s7 =	sld [smem:$0x3F92]  }
0x1a: {  	s8 =	sadd.s32 $0xFFFFE003, lr  }
0x1b: {  	s9 =	sadd.s32 $0xFFFFFEF7, lr;
	s5 =	simm.s32 $0xFFFFFFFF;
	p2 =	slt.u32 s8, $0xFFFFF086  }
0x1c: {  	p1 =	slt.u32 s9, $0xF7A;
	s5 =	simm.s32 @!p2 $0x0  }
0x1d: {  	s5 =	simm.s32 @p1 $0x1;
	p0 =	seq.s32 s7, s2  }
0x1e: {  	s7 =	smul.u32 @!p0 $0xF7A, s2;
	p2 =	seq.s32 @!p0 s5, $0x0  }
0x1f: {  	s9 =	smul.u32 $0xF7A, s1;
	s8 =	simm.s32 @!p0 $0x1BF5;
	p2 =	por !p2, p0  }
0x20: {  	[sflag:s8] =	ssyncset.s32 @!p0 $0xFFFFF086;
	s6 =	sadd.s32 @!p0 s3, s7;
	s7 =	simm.s32 @!p0 $0x108  }
0x21: {  	s3 =	sadd.s32 s3, s9;
	s6 =	sadd.s32 @!p0 $0x88, s6;
	s7 =	simm.s32 @p2 $0x1082  }
0x22: {  	[simem:s7], [sflag:s8] =	dma.local @!p0 [hbm:s6], $0xF7A  }
0x23: {  	s9 =	sor.u32 $0xD0000000, s2;
	s6 =	simm.s32 $0x108;
	_ =	swait.ge @!p0 [sflag:s8], $0x0  }
0x24: {  	s3 =	sadd.s32 $0x88, s3;
	s6 =	simm.s32 @!p1 $0x1082;
	[sflag:s4] =	ssyncset.s32 $0xFFFFF086  }
0x25: {  	[simem:s6], [sflag:s4] =	dma.local [hbm:s3], $0xF7A  }
0x26: {  	[smem:$0x3F92] =	sst s1;
	(tag) =	ssettag s2;
	_ =	strace s9  }
0x27: {  	s1 =	sld [smem:$0x3FA2]  }
0x28: {  	s2 =	sld [smem:$0x3FA3]  }
0x29: {  	s4 =	sld [smem:$0x3FA5]  }
0x2a: {  	p0 =	seq.s32 s5, $0x0;
	s5 =	sld [smem:$0x3FA6]  }
0x2b: {  	s6 =	sld [smem:$0x3FA7]  }
0x2c: {  	s7 =	sld [smem:$0x3FA8]  }
0x2d: {  	s3 =	simm.s32 $0x108;
	s8 =	sld [smem:$0x3FA9]  }
0x2e: {  	s3 =	simm.s32 @!p0 $0x1082;
	s9 =	sld [smem:$0x3FAA]  }
0x2f: {  	lr =	sadd.s32 s0, s3;
	s0 =	sld [smem:$0x3FA1]  }
0x30: {  	s3 =	sld [smem:$0x3FA4]  }
0x31: {  	[smem:$0x3FAD] =	sst s10  }
0x32: {  	s10 =	sld [smem:$0x3FAB];
	_ =	sdelay $0x3  }
0x33: {  	p0 =	seq.s32 s10, $0x1;
	s10 =	sld [smem:$0x3FAD];
	_ =	sdelay $0x3  }
0x34: {  	[smem:$0x3FAD] =	sst s10  }
0x35: {  	s10 =	sld [smem:$0x3FAC];
	_ =	sdelay $0x3  }
0x36: {  	p1 =	seq.s32 s10, $0x1;
	s10 =	sld [smem:$0x3FAD];
	_ =	sdelay $0x3  }
0x37: {  	[smem:$0x3FAD] =	sst s10  }
0x38: {  	s10 =	sld [smem:$0x3FAE]  }
0x39: {  	_ = 	snop;
	(pc) =	sbr.ind lr, $3  }
0x3a: {  	_ = 	snop  }
0x3b: {  	_ = 	snop  }
0x3c: {  	p2 =	seq.s32 s10, $0x1;
	s10 =	sld [smem:$0x3FAD]  }
0x3d: {  	_ =	shalt  }
0x3e: {  	_ =	shalt  }
0x3f: {  	_ =	shalt  }
0x40: {  	_ =	shalt  }
0x41: {  	_ =	shalt  }
0x42: {  	_ =	shalt  }
0x43: {  	_ =	shalt  }
0x44: {  	_ =	shalt  }
0x45: {  	_ =	shalt  }
0x46: {  	_ =	shalt  }
0x47: {  	_ =	shalt  }
0x48: {  	_ =	shalt  }
0x49: {  	_ =	shalt  }
0x4a: {  	_ =	shalt  }
0x4b: {  	_ =	shalt  }
0x4c: {  	_ =	shalt  }
0x4d: {  	_ =	shalt  }
0x4e: {  	_ =	shalt  }
0x4f: {  	_ =	shalt  }
0x50: {  	_ =	shalt  }
0x51: {  	_ =	shalt  }
0x52: {  	_ =	shalt  }
0x53: {  	_ =	shalt  }
0x54: {  	_ =	shalt  }
0x55: {  	_ =	shalt  }
0x56: {  	_ =	shalt  }
0x57: {  	_ =	shalt  }
0x58: {  	_ =	shalt  }
0x59: {  	_ =	shalt  }
0x5a: {  	_ =	shalt  }
0x5b: {  	_ =	shalt  }
0x5c: {  	_ =	shalt  }
0x5d: {  	_ =	shalt  }
0x5e: {  	_ =	shalt  }
0x5f: {  	_ =	shalt  }
0x60: {  	_ =	shalt  }
0x61: {  	_ =	shalt  }
0x62: {  	_ =	shalt  }
0x63: {  	_ =	shalt  }
0x64: {  	_ =	shalt  }
0x65: {  	_ =	shalt  }
0x66: {  	_ =	shalt  }
0x67: {  	_ =	shalt  }
0x68: {  	_ =	shalt  }
0x69: {  	_ =	shalt  }
0x6a: {  	_ =	shalt  }
0x6b: {  	_ =	shalt  }
0x6c: {  	_ =	shalt  }
0x6d: {  	_ =	shalt  }
0x6e: {  	_ =	shalt  }
0x6f: {  	_ =	shalt  }
0x70: {  	_ =	shalt  }
0x71: {  	_ =	shalt  }
0x72: {  	_ =	shalt  }
0x73: {  	_ =	shalt  }
0x74: {  	_ =	shalt  }
0x75: {  	_ =	shalt  }
0x76: {  	_ =	shalt  }
0x77: {  	_ =	shalt  }
0x78: {  	_ =	shalt  }
0x79: {  	_ =	shalt  }
0x7a: {  	_ =	shalt  }
0x7b: {  	_ =	shalt  }
0x7c: {  	_ =	shalt  }
0x7d: {  	_ =	shalt  }
0x7e: {  	_ =	shalt  }
0x7f: {  	_ =	shalt  }
0x80: {  	_ =	shalt  }
0x81: {  	_ =	shalt  }
0x82: {  	_ =	shalt  }
0x83: {  	_ =	shalt  }
0x84: {  	_ =	shalt  }
0x85: {  	_ =	shalt  }
0x86: {  	_ =	shalt  }
0x87: {  	_ =	shalt  }
.Lfunc_end0:
.L_simem_size_0:
called_computation.1_lowered:
.L_overlay_start_0:
0x88: {  	s2 =	sld [smem:$0x3FD9]  }
0x89: {  	s3 =	sld [smem:$0x3FFE];
	_ =	sdelay $0x1  }
0x8a: {  	s1 =	srdreg.scid  }
0x8b: {  	s0 =	sand.u32 $0x1, s1  }
0x8c: {  	s14 =	sshll.u32 s0, $0xA;
	s2 =	sadd.s32 s3, s2  }
0x8d: {  	s2 =	sadd.s32 s2, s14  }
0x8e: {  	[smem:$0x3FB9] =	sst s2  }
0x8f: {  	_ = 	snop  }
0x90: {  	s2 =	sld [smem:$0x3FD0];
	_ =	sdelay $0x2  }
0x91: {  	s4 =	simm.s32 $0xA;
	s5 =	simm.s32 $0x10;
	s15 =	sld [smem:$0x3FC9]  }
0x92: {  	[smem:s5], [sflag:s4] =	dma.local [hbm:s2], $0x1  }
0x93: {  	_ =	swait.eq [sflag:s4], $0x1  }
0x94: {  	[sflag:s4] =	ssyncset.done $0x0  }
0x95: {  	[sflag:s4] =	ssyncadd.s32 $0xFFFFFFFF  }
0x96: {  	s16 =	sld [smem:$0x11];
	(tm) =	ssettm $0x1  }
0x97: {  	s17 =	sld [smem:$0x3FFB];
	_ =	sdelay $0x3  }
0x98: {  	_ =	strace s17  }
0x99: {  	s4 =	sld [smem:$0x3FFC];
	_ =	sdelay $0x3  }
0x9a: {  	_ =	strace s4  }
0x9b: {  	s4 =	sld [smem:$0x3FFD];
	_ =	sdelay $0x3  }
0x9c: {  	_ =	strace s4  }
0x9d: {  	_ =	strace $0x8FFFFFFF  }
0x9e: {  	s18 =	sld [smem:$0x3FDB];
	_ =	sdelay $0x1  }
0x9f: {  	s19 =	simm.s32 $_scs_section_size  }
0xa0: {  	s6 =	simm.s32 $_size__tile_overlayer_lowered;
	s7 =	simm.s32 $_tile_overlayer_lowered  }
0xa1: {  	s22 =	simm.s32 $0x1BFF;
	s21 =	sshll.u32 s7, $0x1;
	s4 =	sadd.s32 s19, s18  }
0xa2: {  	s8 =	simm.s32 $0x0;
	s20 =	sshll.u32 s6, $0x1;
	s6 =	sadd.s32 s21, s4  }
0xa3: {  	[timem:s8], [sflag:s22] =	dma.local [hbm:s6], s20  }
0xa4: {  	_ =	swait.ge [sflag:s22], s20  }
0xa5: {  	s5 =	ssub.s32 $0x0, s20;
	[sflag:s22] =	ssyncset.done $0x0  }
0xa6: {  	[sflag:s22] =	ssyncadd.s32 s5;
	_ =	sdelay $0x1  }
0xa7: {  	s23 =	simm.s32 $0x1B8B  }
0xa8: {  	_ =	swait.ge [sflag:s23], $0x1  }
0xa9: {  	[sflag:s23] =	ssyncset.done $0x0  }
0xaa: {  	s25 =	simm.s32 $0x1B8E;
	s24 =	sld [smem:$0x3FFE];
	[sflag:s23] =	ssyncadd.s32 $0xFFFFFFFF  }
0xab: {  	s26 =	simm.s32 $execute0_lowered;
	[smem:$0x3FD2] =	sst s25  }
0xac: {  	s6 =	sshll.u32 s26, $0x1;
	_ =	strace $0x80000046;
	[dreg:$0x1] =	wrdreg $0xFFFFFFFF  }
0xad: {  	s28 =	simm.s32 $_size_execute0_lowered;
	s4 =	sadd.s32 s4, s6;
	[dreg:$0x0] =	wrdreg $0x0  }
0xae: {  	s6 =	sshll.u32 s28, $0x1;
	[dreg:$0x2] =	wrdreg s4  }
0xaf: {  	[dreg:$0x3] =	wrdreg s6  }
0xb0: {  	[dreg:$0x4] =	wrdreg $0xC0  }
0xb1: {  	_ =	task [dreg:s8], $0x5FFFF  }
0xb2: {  	[dreg:$0x1] =	wrdreg $0xFFFFFFFF  }
0xb3: {  	[dreg:$0x0] =	wrdreg $0x60  }
0xb4: {  	[dreg:$0x2] =	wrdreg s24  }
0xb5: {  	[dreg:$0x3] =	wrdreg s15  }
0xb6: {  	[dreg:$0x4] =	wrdreg s16  }
0xb7: {  	[dreg:$0x5] =	wrdreg $0x9  }
0xb8: {  	_ =	task.clear_ibuf [dreg:s8], $0x6FFFF;
	_ =	strace $0x90000046  }
0xb9: {  	s29 =	simm.s32 $0x9;
	_ =	strace $0x80000048  }
0xba: {  	_ =	swait.ge [sflag:s29], $0x1  }
0xbb: {  	[sflag:s29] =	ssyncadd.s32 $0xFFFFFFFF  }
0xbc: {  	_ =	strace $0x90000048  }
0xbd: {  	_ =	sfence  }
0xbe: {  	s30 =	sld [smem:$0x0];
	_ =	sdelay $0x2  }
0xbf: {  	s31 =	sshll.u32 s1, $0xD;
	s1 =	sshrl.u32 s1, $0x2  }
0xc0: {  	s3 =	sand.u32 $0x4000, s31;
	s1 =	sadd.s32 s1, s30  }
0xc1: {  	s0 =	sor.u32 s3, s0;
	s1 =	sshll.u32 s1, $0x11  }
0xc2: {  	s0 =	sor.u32 s1, s0  }
0xc3: {  	s0 =	sadd.s32 $0x8F2B, s0  }
0xc4: {  	[sflag:s0] =	ssyncadd.remote.s32 $0x1  }
0xc5: {  	_ =	sfence.sel $0xFFFF  }
0xc6: {  	[dreg:$0x0] =	wrdreg $0xFFFFFFFF;
	(pc) =	sbr.abs _section_cstart, $3  }
0xc7: {  	[dreg:$0x1] =	wrdreg $0xFFFFFFFF  }
0xc8: {  	_ =	task.clear_ibuf [dreg:s8], $0x2FFFF;
	_ =	strace $0x9FFFFFFF  }
0xc9: {  	(tm) =	ssettm $0x7FFFFFFF  }
tec
execute0_lowered:
.L_overlay_start_1:
0x0: {  	(tag) =	ssettag $0x1  }
0x1: {  	s5 =	rddreg [dreg:$0x0]  }
0x2: {  	s1 =	srdreg.scid;
	s3 =	rddreg [dreg:$0x1]  }
0x3: {  	s0 =	stileid.u32;
	s8 =	rddreg [dreg:$0x2];
	s6 =	sand.u32 $0x1, s1  }
0x4: {  	s2 =	simm.s32 $0x0;
	s4 =	sshll.u32 s0, $0x6;
	s7 =	sshll.u32 s6, $0x5  }
0x5: {  	[smem:$0x7FF] =	sst s2;
	s9 =	sor.u32 s7, s4  }
0x6: {  	s1 =	rddreg [dreg:$0x3];
	_ =	strace $0x80000047;
	s4 =	sshrl.u32 s9, $0x3  }
0x7: {  	s10 =	ssub.s32 $0x2, s6;
	s4 =	sadd.s32 s3, s4;
	s3 =	simm.s32 $0x2  }
0x8: {  	[tilespmem:s2], [sflag:$0x2] =	stream.linear.gather [hbm4b:s4+s2], $0x20, $0x38;
	[tilespmem:$0x820] =	vst v63  }
0x9: {  	s5 =	sadd.s32 $0x2400, s5;
	s11 =	sshrl.u32 s10, $0x1;
	_ =	swait.ge [sflag:s3], $0x20  }
0xa: {  	s6 =	simm.s32 $0x20;
	s10 =	ssub.s32 s10, s11;
	[sflag:s3] =	ssyncset.done $0x0  }
0xb: {  	s7 =	simm.s32 $0x1;
	s31 =	smax.u32 s10, $0x1;
	[sflag:s3] =	ssyncadd.s32 $0xFFFFFFE0  }
0xc: {  	[tilespmem:s6], [sflag:$0x1] =	stream.indirect.gather [hbm4b:s5+s6], $0x40, s2, s6, $0xb8;
	[tilespmem:$0x820] =	vst v63  }
0xd: {  	p0 =	sne.s32 s31, $0x1;
	_ =	swait.ge [sflag:s7], $0x800  }
.Ltmp0:
0xe: {  	s9 =	sshll.u32 s9, $0x3;
	[sflag:s7] =	ssyncset.done $0x0;
	(pc) =	sbr.rel @!p0 .LBB2_2-.Ltmp0, $4  }
0xf: {  	s8 =	sadd.s32 s8, s9;
	[sflag:s7] =	ssyncadd.s32 $0xFFFFF800  }
0x10: {  	[hbm4b:s8+s2] =	stream.linear.scatter [tilespmem:s6], [sflag:$0x2], $0x800, $0x38;
	[tilespmem:$0x820] =	vst v63  }
0x11: {  	_ =	swait.ge [sflag:s3], $0x800  }
0x12: {  	s9 =	sadd.s32 $0xFFFFFFFF, s31;
	[sflag:s3] =	ssyncset.done $0x0  }
.LBB2_1:
0x13: {  	p0 =	sne.s32 s9, $0x1;
	s9 =	sadd.s32 $0xFFFFFFFF, s9;
	[sflag:s3] =	ssyncadd.s32 $0xFFFFF800  }
0x14: {  	[tilespmem:s2], [sflag:$0x2] =	stream.linear.gather [hbm4b:s4+s2], $0x20, $0x38;
	[tilespmem:$0x820] =	vst v63  }
0x15: {  	_ =	swait.ge [sflag:s3], $0x20  }
0x16: {  	[sflag:s3] =	ssyncset.done $0x0  }
0x17: {  	[sflag:s3] =	ssyncadd.s32 $0xFFFFFFE0  }
0x18: {  	[tilespmem:s6], [sflag:$0x1] =	stream.indirect.gather [hbm4b:s5+s6], $0x40, s2, s6, $0xb8;
	[tilespmem:$0x820] =	vst v63  }
0x19: {  	_ =	swait.ge [sflag:s7], $0x800  }
.Ltmp1:
0x1a: {  	[sflag:s7] =	ssyncset.done $0x0;
	(pc) =	sbr.rel @p0 .LBB2_1-.Ltmp1, $4  }
0x1b: {  	[sflag:s7] =	ssyncadd.s32 $0xFFFFF800  }
0x1c: {  	[hbm4b:s8+s2] =	stream.linear.scatter [tilespmem:s6], [sflag:$0x2], $0x800, $0x38;
	[tilespmem:$0x820] =	vst v63  }
0x1d: {  	_ =	swait.ge [sflag:s3], $0x800  }
0x1e: {  	[sflag:s3] =	ssyncset.done $0x0  }
.LBB2_2:
0x1f: {  	[sflag:s3] =	ssyncadd.s32 $0xFFFFF800  }
0x20: {  	_ =	sfence.sel $0x180000  }
0x21: {  	[bflag:$0x0] =	sbarrier.arrive $0xFFFF  }
0x22: {  	p0 =	sne.s32 s0, $0x0;
	_ =	strace $0x90000047  }
0x23: {  	s0 =	sadd.s32 @!p0 $0x100000, s1;
	[bflag:$0x2] =	sbarrier.arrive $0xFFFF  }
0x24: {  	[sflag:s0] =	ssyncadd.tile.s32 @!p0 $0x1;
	_ =	shalt  }
.Lfunc_end2:
_tile_overlayer_lowered:
.L_overlay_start_2:
0x25: {  	(tag) =	ssettag $0x2  }
0x26: {  	s0 =	rddreg [dreg:$0x0];
	s2 =	stileid.u32  }
0x27: {  	s1 =	rddreg [dreg:$0x1];
	p0 =	sne.s32 s2, $0x0  }
0x28: {  	s3 =	rddreg [dreg:$0x2];
	[bflag:$0x3] =	sbarrier.arrive $0xFFFF;
	s2 =	simm.s32 @!p0 $0x1C02  }
0x29: {  	[timem:s3], [sflag:s2] =	dma.local @!p0 [hbm:s0], s1  }
0x2a: {  	s0 =	simm.s32 @!p0 $0x2  }
0x2b: {  	_ =	swait.ge @!p0 [sflag:s0], s1  }
0x2c: {  	s1 =	ssub.s32 @!p0 $0x0, s1;
	[sflag:s0] =	ssyncset.done @!p0 $0x0  }
0x2d: {  	[sflag:s0] =	ssyncadd.s32 @!p0 s1  }
0x2e: {  	[bflag:$0x3] =	sbarrier.arrive $0xFFFF  }
0x2f: {  	_ =	shalt  }

// kernel: sparse-core-data-format-call.cloned.1.call-start
scs
called_computation_lowered:
.L_overlay_start_0:
0x0: {  	s2 =	sld [smem:$0x3FD9]  }
0x1: {  	s3 =	sld [smem:$0x3FFE];
	_ =	sdelay $0x1  }
0x2: {  	s1 =	srdreg.scid  }
0x3: {  	s0 =	sand.u32 $0x1, s1  }
0x4: {  	s15 =	sshll.u32 s0, $0xA;
	s2 =	sadd.s32 s3, s2  }
0x5: {  	s2 =	sadd.s32 s2, s15  }
0x6: {  	[smem:$0x3FB9] =	sst s2  }
0x7: {  	_ = 	snop  }
0x8: {  	s2 =	sld [smem:$0x3FD0];
	_ =	sdelay $0x2  }
0x9: {  	s16 =	simm.s32 $0xA;
	s4 =	simm.s32 $0x10  }
0xa: {  	[smem:s4], [sflag:s16] =	dma.local [hbm:s2], $0x1  }
0xb: {  	_ =	swait.eq [sflag:s16], $0x1  }
0xc: {  	[sflag:s16] =	ssyncset.done $0x0  }
0xd: {  	[sflag:s16] =	ssyncadd.s32 $0xFFFFFFFF  }
0xe: {  	s17 =	sld [smem:$0x10];
	(tm) =	ssettm $0x1  }
0xf: {  	s18 =	sld [smem:$0x3FFB];
	_ =	sdelay $0x3  }
0x10: {  	_ =	strace s18  }
0x11: {  	s3 =	sld [smem:$0x3FFC];
	_ =	sdelay $0x3  }
0x12: {  	_ =	strace s3  }
0x13: {  	s3 =	sld [smem:$0x3FFD];
	_ =	sdelay $0x3  }
0x14: {  	_ =	strace s3  }
0x15: {  	_ =	strace $0x8FFFFFFF  }
0x16: {  	s19 =	sld [smem:$0x3FDB];
	_ =	sdelay $0x1  }
0x17: {  	s20 =	simm.s32 $_scs_section_size  }
0x18: {  	s5 =	simm.s32 $_size__tile_overlayer_lowered;
	s6 =	simm.s32 $_tile_overlayer_lowered  }
0x19: {  	s23 =	simm.s32 $0x1BFF;
	s22 =	sshll.u32 s6, $0x1;
	s3 =	sadd.s32 s20, s19  }
0x1a: {  	s7 =	simm.s32 $0x0;
	s21 =	sshll.u32 s5, $0x1;
	s5 =	sadd.s32 s22, s3  }
0x1b: {  	[timem:s7], [sflag:s23] =	dma.local [hbm:s5], s21  }
0x1c: {  	_ =	swait.ge [sflag:s23], s21  }
0x1d: {  	s4 =	ssub.s32 $0x0, s21;
	[sflag:s23] =	ssyncset.done $0x0  }
0x1e: {  	[sflag:s23] =	ssyncadd.s32 s4;
	_ =	sdelay $0x1  }
0x1f: {  	s24 =	simm.s32 $0x1B8B  }
0x20: {  	_ =	swait.ge [sflag:s24], $0x1  }
0x21: {  	[sflag:s24] =	ssyncset.done $0x0  }
0x22: {  	s26 =	simm.s32 $0x1B8E;
	s25 =	sld [smem:$0x3FFE];
	[sflag:s24] =	ssyncadd.s32 $0xFFFFFFFF  }
0x23: {  	s27 =	simm.s32 $execute0_lowered;
	[smem:$0x3FD2] =	sst s26  }
0x24: {  	s5 =	sshll.u32 s27, $0x1;
	_ =	strace $0x80000049;
	[dreg:$0x1] =	wrdreg $0xFFFFFFFF  }
0x25: {  	s28 =	simm.s32 $_size_execute0_lowered;
	s3 =	sadd.s32 s3, s5;
	[dreg:$0x0] =	wrdreg $0x0  }
0x26: {  	s5 =	sshll.u32 s28, $0x1;
	[dreg:$0x2] =	wrdreg s3  }
0x27: {  	[dreg:$0x3] =	wrdreg s5  }
0x28: {  	[dreg:$0x4] =	wrdreg $0xC0  }
0x29: {  	_ =	task [dreg:s7], $0x5FFFF  }
0x2a: {  	[dreg:$0x1] =	wrdreg $0xFFFFFFFF  }
0x2b: {  	[dreg:$0x0] =	wrdreg $0x60  }
0x2c: {  	[dreg:$0x2] =	wrdreg s25  }
0x2d: {  	[dreg:$0x3] =	wrdreg s17  }
0x2e: {  	[dreg:$0x4] =	wrdreg $0x9  }
0x2f: {  	_ =	task.clear_ibuf [dreg:s7], $0x5FFFF;
	_ =	strace $0x90000049  }
0x30: {  	s29 =	simm.s32 $0x9;
	_ =	strace $0x8000004B  }
0x31: {  	_ =	swait.ge [sflag:s29], $0x1  }
0x32: {  	[sflag:s29] =	ssyncadd.s32 $0xFFFFFFFF  }
0x33: {  	_ =	strace $0x9000004B  }
0x34: {  	_ =	sfence  }
0x35: {  	s30 =	sld [smem:$0x0];
	_ =	sdelay $0x2  }
0x36: {  	s31 =	sshll.u32 s1, $0xD;
	s1 =	sshrl.u32 s1, $0x2  }
0x37: {  	s3 =	sand.u32 $0x4000, s31;
	s1 =	sadd.s32 s1, s30  }
0x38: {  	s0 =	sor.u32 s3, s0;
	s1 =	sshll.u32 s1, $0x11  }
0x39: {  	s0 =	sor.u32 s1, s0  }
0x3a: {  	s0 =	sadd.s32 $0x8F2B, s0  }
0x3b: {  	[sflag:s0] =	ssyncadd.remote.s32 $0x1  }
0x3c: {  	_ =	sfence.sel $0xFFFF  }
0x3d: {  	[dreg:$0x0] =	wrdreg $0xFFFFFFFF;
	(pc) =	sbr.abs _section_cstart, $3  }
0x3e: {  	[dreg:$0x1] =	wrdreg $0xFFFFFFFF  }
0x3f: {  	_ =	task.clear_ibuf [dreg:s7], $0x2FFFF;
	_ =	strace $0x9FFFFFFF  }
0x40: {  	(tm) =	ssettm $0x7FFFFFFF  }
0x41: {  	_ =	shalt  }
tec
execute0_lowered:
.L_overlay_start_1:
0x0: {  	(tag) =	ssettag $0x1  }
0x1: {  	s0 =	stileid.u32  }
0x2: {  	s2 =	srdreg.scid;
	s7 =	rddreg [dreg:$0x0]  }
0x3: {  	s6 =	simm.s32 $0x1;
	s31 =	simm.s32 $0x2;
	s16 =	simm.s32 $0x0  }
0x4: {  	s9 =	simm.s32 $0x2000;
	s15 =	simm.s32 $0x0;
	s10 =	simm.s32 $0x0  }
0x5: {  	s11 =	simm.s32 $0x0;
	s14 =	simm.s32 $0x0;
	s1 =	sshll.u32 s0, $0x7  }
0x6: {  	s3 =	sshll.u32 s0, $0x4;
	s2 =	sshll.u32 s2, $0x8;
	s1 =	sand.u32 $0x380, s1  }
0x7: {  	s7 =	sadd.s32 $0xC8C00, s7;
	s2 =	sor.u32 s3, s2;
	s5 =	ssub.s32 $0x400, s1  }
0x8: {  	s3 =	rddreg [dreg:$0x1];
	s4 =	sand.u32 $0x180, s2;
	s29 =	sand.u32 $0x380, s5  }
0x9: {  	s30 =	ssub.s32 $0x18680, s4;
	s5 =	sshrl.u32 s5, $0xA;
	p0 =	sne.s32 s29, $0x0  }
.Ltmp0:
0xa: {  	s8 =	sshrl.u32 s30, $0x9;
	s6 =	simm.s32 @!p0 $0x0;
	(pc) =	sbr.rel .LBB1_1-.Ltmp0, $4  }
0xb: {  	s2 =	rddreg [dreg:$0x2];
	s8 =	sadd.s32 $0x1, s8;
	s6 =	sadd.s32 s6, s5  }
0xc: {  	_ =	strace $0x8000004A;
	s5 =	simm.s32 $0x1;
	s6 =	smul.u32 s6, s8  }
0xd: {  	s13 =	smov.u32 s1;
	s12 =	smov.u32 s4;
	[sflag:s5] =	ssyncpa.u1 $0x0  }
0xe: {  	p0 =	por $0x0, $0x0;
	[sflag:s31] =	ssyncpa.u1 $0x0;
	s8 =	sadd.s32 $0x1, s6  }
.LBB1_4:
0xf: {  	s21 =	sshra.s32 s21, $0x2;
	s27 =	sshll.u32 s10, $0xA;
	s22 =	sshll.u32 s11, $0x3  }
0x10: {  	s23 =	sshll.u32 s10, $0x7;
	s24 =	sand.u32 $0x78, s11;
	p1 =	sgt.s32 s10, $0x18620  }
0x11: {  	s25 =	sshra.s32 s10, $0x1F;
	s26 =	sshra.s32 s11, $0x1F;
	s20 =	sadd.s32 s21, s20  }
0x12: {  	v5 =	vld [tilespmem:s18+$0xFFFFFFD0];
	[tilespmem:s19+$0x2040 ss:$0x81] =	vst.msk $0xffff, v4;
	s21 =	sand.u32 $0xFFFFE000, s27;
	s22 =	sand.u32 $0xFFFFFC00, s22;
	s28 =	sand.u32 $0x380, s23  }
0x13: {  	v58 =	vld [tilespmem:s18+$0xFFFFFFE0];
	[tilespmem:s19+$0x2850 ss:$0x81] =	vst.msk $0xffff, v3;
	s23 =	smov.u32 s10;
	s30 =	sand.u32 s25, s10;
	s25 =	smov.u32 s11  }
0x14: {  	v59 =	vld [tilespmem:s18+$0xFFFFFFF0];
	[tilespmem:s19+$0x3060 ss:$0x81] =	vst.msk $0xffff, v2;
	s31 =	sand.u32 s26, s11;
	s21 =	sadd.s32 s22, s21;
	s22 =	sor.u32 s24, s28  }
0x15: {  	v60 =	vld [tilespmem:s18+$0x0];
	[tilespmem:s19+$0x0 ss:$0x81] =	vst.msk $0xffff, v1;
	s23 =	simm.s32 @!p1 $0x18620;
	p1 =	sgt.s32 s11, $0x380;
	s21 =	sshrl.u32 s21, $0xA  }
0x16: {  	v61 =	vld [tilespmem:s18+$0x10];
	[tilespmem:s20+$0x3870 ss:$0x81] =	vst.msk $0xffff, v0;
	s19 =	ssub.s32 s23, s30;
	s25 =	simm.s32 @!p1 $0x380;
	s29 =	smulhi.u32 $0x53E2D7, s21  }
0x17: {  	v62 =	vld [tilespmem:s18+$0x20];
	s23 =	ssub.s32 s25, s31;
	s26 =	sadd.s32 $0xFFFE79E0, s19;
	s19 =	ssub.s32 $0x186A0, s19;
	[tilespmem:s20+$0x810 ss:$0x81] =	vst.msk $0xffff, v5  }
0x18: {  	v63 =	vld [tilespmem:s18+$0xFFFFFFC0];
	[tilespmem:s20+$0x1020 ss:$0x81] =	vst.msk $0xffff, v58;
	p1 =	sgt.s32 s26, $0x7F;
	s28 =	sadd.s32 $0xFFFFFC80, s23;
	s24 =	sshrl.u32 s29, $0x7  }
0x19: {  	[tilespmem:s20+$0x1830 ss:$0x81] =	vst.msk $0xffff, v59;
	s23 =	ssub.s32 $0x400, s23;
	p2 =	sgt.s32 s28, $0x7F;
	s27 =	smul.u32 $0x186A0, s24  }
0x1a: {  	s30 =	sand.u32 $0x7, s11;
	[tilespmem:s20+$0x2040 ss:$0x81] =	vst.msk $0xffff, v60;
	s19 =	simm.s32 @p1 $0x0;
	s23 =	simm.s32 @p2 $0x0  }
0x1b: {  	[tilespmem:s20+$0x2850 ss:$0x81] =	vst.msk $0xffff, v61;
	s29 =	sshrl.u32 s22, $0x3;
	s19 =	smul.u32 s23, s19;
	s18 =	ssub.s32 s21, s27  }
0x1c: {  	[tilespmem:s20+$0x3060 ss:$0x81] =	vst.msk $0xffff, v62;
	s22 =	sshll.u32 s30, $0x12;
	s21 =	sadd.s32 s3, s29;
	s18 =	sshll.u32 s18, $0x7  }
0x1d: {  	[tilespmem:s20+$0x0 ss:$0x81] =	vst.msk $0xffff, v63;
	s31 =	sor.u32 $0x400, s22;
	s19 =	sand.u32 $0x3FFFFFFF, s19;
	s18 =	sadd.s32 s18, s21  }
0x1e: {  	[hbm4b:s18+s31] =	stream.strided.scatter [tilespmem:s17], [sflag:$0x2], s19, s9, s31, $0x20;
	[tilespmem:$0x10100] =	vst v63  }
.LBB1_5:
0x1f: {  	p1 =	slt.u32 s14, $0x2  }
0x20: {  	s18 =	smov.u32 s16;
	p2 =	sgt.s32 @!p1 s16, $0x18620;
	s17 =	sshra.s32 @!p1 s16, $0x1F  }
0x21: {  	p3 =	sgt.s32 @!p1 s15, $0x380;
	s19 =	sshra.s32 @!p1 s15, $0x1F;
	p2 =	por !p2, p1  }
0x22: {  	s16 =	sand.u32 @!p1 s17, s16;
	p3 =	por !p3, p1;
	s17 =	smov.u32 s15  }
0x23: {  	s15 =	sand.u32 @!p1 s19, s15;
	s18 =	simm.s32 @p2 $0x18620;
	s17 =	simm.s32 @p3 $0x380  }
0x24: {  	s16 =	ssub.s32 @!p1 s18, s16;
	s15 =	ssub.s32 @!p1 s17, s15  }
0x25: {  	s19 =	smov.u32 s13;
	s17 =	sadd.s32 @!p1 $0xFFFE79E0, s16;
	s18 =	sadd.s32 @!p1 $0xFFFFFC80, s15  }
0x26: {  	s16 =	ssub.s32 @!p1 $0x186A0, s16;
	p2 =	sgt.s32 @!p1 s17, $0x7F;
	p3 =	sgt.s32 @!p1 s18, $0x7F  }
0x27: {  	s15 =	ssub.s32 @!p1 $0x400, s15;
	p2 =	por !p2, p1;
	p3 =	por !p3, p1  }
0x28: {  	s17 =	sadd.s32 $0x200, s12;
	s16 =	simm.s32 @!p2 $0x0;
	s15 =	simm.s32 @!p3 $0x0  }
0x29: {  	p2 =	sgt.s32 s17, $0x1869F;
	s15 =	smul.u32 @!p1 s15, s16;
	s16 =	sadd.s32 $0x400, s13  }
0x2a: {  	s19 =	smov.u32 @p2 s16  }
0x2b: {  	s17 =	smov.u32 @p2 s4;
	p2 =	sgt.s32 s19, $0x3FF  }
0x2c: {  	s19 =	smov.u32 @p2 s1;
	p2 =	sne.s32 s14, s8  }
.Ltmp1:
0x2d: {  	p0 =	por !p0, !p0;
	s18 =	simm.s32 @!p1 $0x2;
	(pc) =	sbr.rel @!p2 .LBB1_6-.Ltmp1, $4  }
0x2e: {  	s16 =	smov.u32 s10;
	s10 =	smov.u32 s12;
	s15 =	sand.u32 @!p1 $0x3FFFFFFF, s15  }
0x2f: {  	s12 =	smov.u32 s17;
	_ =	swait.ge @!p1 [sflag:s18], s15;
	s20 =	ssub.s32 @!p1 $0x0, s15  }
0x30: {  	s15 =	smov.u32 s11;
	s14 =	sadd.s32 $0x1, s14;
	[sflag:s18] =	ssyncset.done @!p1 $0x0  }
0x31: {  	s11 =	smov.u32 s13;
	s13 =	smov.u32 s19;
	[sflag:s18] =	ssyncadd.s32 @!p1 s20  }
.LBB1_1:
0x32: {  	p1 =	sge.u32 s14, s6  }
0x33: {  	s17 =	sshrl.u32 @!p1 s13, $0x3  }
0x34: {  	s18 =	sshll.u32 @!p1 s12, $0x3;
	s17 =	smul.u32 @!p1 $0xC3800, s17  }
0x35: {  	s19 =	sshll.u32 @!p1 s13, $0x7;
	s18 =	sand.u32 @!p1 $0xFFFFFC00, s18  }
0x36: {  	s17 =	sadd.s32 @!p1 s17, s18;
	s18 =	sand.u32 @!p1 $0x380, s19  }
0x37: {  	s19 =	sand.u32 @!p1 $0x7F, s12;
	s17 =	sor.u32 @!p1 s18, s17  }
0x38: {  	s18 =	sor.u32 @!p1 s19, s17  }
0x39: {  	s19 =	smulhi.u32 @!p1 $0xA79C7B17, s18;
	_ =	sdelay $0x1  }
0x3a: {  	s17 =	smulhi.u32 @!p1 $0xA79C7B17, s17;
	s19 =	sshrl.u32 @!p1 s19, $0x10  }
0x3b: {  	s19 =	smul.u32 @!p1 $0x18700, s19  }
0x3c: {  	s31 =	sadd.s32 $0xFFFFFFFF, s14;
	s20 =	sxor.u32 @!p1 $0xFFFFFFFF, s14;
	s17 =	sshrl.u32 @!p1 s17, $0x10  }
0x3d: {  	s20 =	sshll.u32 @!p1 s20, $0xE;
	s17 =	sand.u32 @!p1 $0x3FF, s17;
	s18 =	ssub.s32 @!p1 s18, s19  }
0x3e: {  	s17 =	smul.u32 @!p1 $0x30E0, s17;
	s19 =	sshrl.u32 @!p1 s18, $0x3;
	s18 =	sand.u32 @!p1 $0x7, s18  }
0x3f: {  	s20 =	sand.u32 @!p1 $0x4000, s20;
	s19 =	sadd.s32 @!p1 s7, s19;
	s18 =	sshll.u32 @!p1 s18, $0x12  }
0x40: {  	s17 =	sadd.s32 @!p1 s17, s19;
	s18 =	sor.u32 @!p1 $0x400, s18;
	s19 =	simm.s32 @!p1 $0xC3800  }
0x41: {  	[tilespmem:s20], [sflag:$0x1] =	stream.strided.gather @!p1 [hbm4b:s17+s18], $0x4000, s19, s18, $0x38;
	[tilespmem:$0x10100] =	vst v63  }
0x42: {  	p1 =	sge.u32 s31, s6  }
.Ltmp2:
0x43: {  	_ = 	snop;
	(pc) =	sbr.rel @p1 .LBB1_5-.Ltmp2, $1  }
0x44: {  	_ =	sdelay $0x3  }
0x45: {  	s17 =	simm.s32 $0x1  }
0x46: {  	_ =	swait.ge [sflag:s5], $0x4000;
	s17 =	simm.s32 @!p0 $0x0  }
0x47: {  	[sflag:s5] =	ssyncset.done $0x0;
	s18 =	sshll.u32 s17, $0xE  }
0x48: {  	[sflag:s5] =	ssyncadd.s32 $0xFFFFC000;
	s18 =	sor.u32 $0x40, s18  }
0x49: {  	s17 =	smul.u32 $0x10200, s17;
	v0 =	vld [tilespmem:s18+$0x30]  }
0x4a: {  	v1 =	vld [tilespmem:s18+$0xFFFFFFD0]  }
0x4b: {  	s17 =	sshrl.u32 s17, $0x2;
	v5 =	vld [tilespmem:s18+$0xFFFFFFE0]  }
0x4c: {  	v6 =	vld [tilespmem:s18+$0xFFFFFFF0];
	s20 =	sor.u32 $0x8000, s17  }
0x4d: {  	s31 =	sand.u32 $0x1, s14;
	v4 =	vld [tilespmem:s18+$0x0];
	s19 =	sadd.s32 $0x0, s20  }
0x4e: {  	v3 =	vld [tilespmem:s18+$0x10];
	s17 =	smul.u32 $0x10200, s31;
	[tilespmem:s19+$0x3870 ss:$0x81] =	vst.msk $0xffff, v0  }
0x4f: {  	v2 =	vld [tilespmem:s18+$0x20];
	[tilespmem:s19+$0x810 ss:$0x81] =	vst.msk $0xffff, v1  }
0x50: {  	s17 =	sshrl.u32 s17, $0x2;
	v1 =	vld [tilespmem:s18+$0xFFFFFFC0];
	[tilespmem:s19+$0x1020 ss:$0x81] =	vst.msk $0xffff, v5;
	s18 =	sadd.s32 $0x80, s18  }
0x51: {  	s21 =	simm.s32 $0x4;
	s22 =	simm.s32 $0x8;
	s17 =	sor.u32 $0x8000, s17;
	[tilespmem:s19+$0x1830 ss:$0x81] =	vst.msk $0xffff, v6;
	v0 =	vld [tilespmem:s18+$0x30]  }
.LBB1_3:
0x52: {  	p1 =	sne.s32 s22, $0x1FC;
	v5 =	vld [tilespmem:s18+$0xFFFFFFD0];
	[tilespmem:s19+$0x2040 ss:$0x81] =	vst.msk $0xffff, v4  }
0x53: {  	v6 =	vld [tilespmem:s18+$0xFFFFFFE0];
	[tilespmem:s19+$0x2850 ss:$0x81] =	vst.msk $0xffff, v3  }
0x54: {  	s23 =	sshra.s32 s21, $0x2;
	s21 =	smov.u32 s22;
	v7 =	vld [tilespmem:s18+$0xFFFFFFF0];
	[tilespmem:s19+$0x3060 ss:$0x81] =	vst.msk $0xffff, v2  }
.Ltmp3:
0x55: {  	v4 =	vld [tilespmem:s18+$0x0];
	[tilespmem:s19+$0x0 ss:$0x81] =	vst.msk $0xffff, v1;
	s19 =	sadd.s32 s23, s20;
	(pc) =	sbr.rel @p1 .LBB1_3-.Ltmp3, $4  }
0x56: {  	v3 =	vld [tilespmem:s18+$0x10];
	[tilespmem:s19+$0x3870 ss:$0x81] =	vst.msk $0xffff, v0  }
0x57: {  	[tilespmem:s19+$0x810 ss:$0x81] =	vst.msk $0xffff, v5;
	v2 =	vld [tilespmem:s18+$0x20]  }
0x58: {  	v1 =	vld [tilespmem:s18+$0xFFFFFFC0];
	[tilespmem:s19+$0x1020 ss:$0x81] =	vst.msk $0xffff, v6;
	s18 =	sadd.s32 $0x80, s18  }
0x59: {  	s22 =	sadd.s32 $0x4, s22;
	v0 =	vld [tilespmem:s18+$0x30];
	[tilespmem:s19+$0x1830 ss:$0x81] =	vst.msk $0xffff, v7  }
.Ltmp4:
0x5a: {  	_ = 	snop;
	(pc) =	sbr.rel .LBB1_4-.Ltmp4, $1  }
0x5b: {  	_ =	sdelay $0x3  }
.LBB1_6:
0x5c: {  	_ =	sfence.sel $0x180000  }
0x5d: {  	s1 =	simm.s32 $0x1;
	[bflag:$0x0] =	sbarrier.arrive $0xFFFF  }
0x5e: {  	s31 =	simm.s32 $0x2;
	[sflag:s1] =	ssyncpa.u1 $0x1  }
0x5f: {  	[sflag:s31] =	ssyncpa.u1 $0x1  }
0x60: {  	p0 =	sne.s32 s0, $0x0;
	_ =	strace $0x9000004A  }
0x61: {  	s0 =	sadd.s32 @!p0 $0x100000, s2;
	[bflag:$0x2] =	sbarrier.arrive $0xFFFF  }
0x62: {  	[sflag:s0] =	ssyncadd.tile.s32 @!p0 $0x1;
	_ =	shalt  }
.Lfunc_end1:
_tile_overlayer_lowered:
.L_overlay_start_2:
0x63: {  	(tag) =	ssettag $0x2  }
0x64: {  	s0 =	rddreg [dreg:$0x0];
	s2 =	stileid.u32  }
0x65: {  	s1 =	rddreg [dreg:$0x1];
	p0 =	sne.s32 s2, $0x0  }
0x66: {  	s3 =	rddreg [dreg:$0x2];
	[bflag:$0x3] =	sbarrier.arrive $0xFFFF;
	s2 =	simm.s32 @!p0 $0x1C01  }
0x67: {  	[timem:s3], [sflag:s2] =	dma.local @!p0 [hbm:s0], s1  }
0x68: {  	s0 =	simm.s32 @!p0 $0x1  }
0x69: {  	_ =	swait.ge @!p0 [sflag:s0], s1  }
0x6a: {  	s1 =	ssub.s32 @!p0 $0x0, s1;
	[sflag:s0] =	ssyncset.done @!p0 $0x0  }
0x6b: {  	[sflag:s0] =	ssyncadd.s32 @!p0 s1  }
0x6c: {  	[bflag:$0x3] =	sbarrier.arrive $0xFFFF  }
0x6d: {  	_ =	shalt  }

</sc_bundles>
